<compile_context>
chip_gen: v7x
topology: tpu7x:2x2x1
jax: 0.10.2.dev20260603
libtpu: 0.0.44.dev20260713+nightly
codegen_flags: <defaults>
</compile_context>

<pallas_src>
import functools

import jax
import jax.numpy as jnp
from jax import lax
from jax.experimental import pallas as pl
from jax.experimental.pallas import tpu as pltpu
from jax.experimental.pallas import tpu_sc as plsc

_C = 5
_L = 16
_NC = 2
_NS = 16
_NW = _NC * _NS

_LN2 = 0.6931471805599453
_RK = 0x3F3504F3


def _vlog(x):
    bits = lax.bitcast_convert_type(x, jnp.int32)
    tmp = bits - _RK
    e = lax.shift_right_arithmetic(tmp, 23)
    m = lax.bitcast_convert_type((tmp & 0x007FFFFF) + _RK, jnp.float32)
    z = (m - 1.0) / (m + 1.0)
    z2 = z * z
    p = jnp.float32(2.0 / 11.0)
    for c in (2.0 / 9.0, 2.0 / 7.0, 2.0 / 5.0, 2.0 / 3.0, 2.0):
        p = p * z2 + jnp.float32(c)
    return e.astype(jnp.float32) * jnp.float32(_LN2) + z * p


def _butterfly(x, op):
    ii = lax.iota(jnp.int32, _L)
    for sh in (8, 4, 2, 1):
        x = op(x, x.at[ii ^ sh].get(mode="promise_in_bounds"))
    return x


def _gumbel_argmax(logits, u):
    score = logits + (-_vlog(-_vlog(u)))
    mx = _butterfly(score, jnp.maximum)
    ii = lax.iota(jnp.int32, _L)
    cand = jnp.where(score == mx, ii, jnp.int32(_L))
    return _butterfly(cand, jnp.minimum)


def _make_sc_kernel(total, chunk):
    per_w = total // _NW
    steps = per_w // chunk
    mesh = plsc.VectorSubcoreMesh(core_axis_name="c", subcore_axis_name="s")

    @functools.partial(
        pl.kernel,
        mesh=mesh,
        out_type=jax.ShapeDtypeStruct((total,), jnp.float32),
        scratch_types=[
            pltpu.VMEM((_L,), jnp.float32),
            pltpu.VMEM((_L,), jnp.float32),
            pltpu.VMEM((_L,), jnp.float32),
            pltpu.VMEM((_L,), jnp.float32),
            pltpu.VMEM((chunk,), jnp.float32),
        ],
    )
    def k(pm_hbm, ps_hbm, um_hbm, us_hbm, eps_hbm, out_hbm,
          pm_v, ps_v, um_v, us_v, buf):
        pltpu.sync_copy(pm_hbm, pm_v)
        pltpu.sync_copy(ps_hbm, ps_v)
        pltpu.sync_copy(um_hbm, um_v)
        pltpu.sync_copy(us_hbm, us_v)

        mu_idx = _gumbel_argmax(pm_v[...], um_v[...])
        sig_idx = _gumbel_argmax(ps_v[...], us_v[...])
        a_vec = mu_idx.astype(jnp.float32)
        b_vec = jnp.exp(sig_idx.astype(jnp.float32))

        wid = lax.axis_index("s") * _NC + lax.axis_index("c")
        base = pl.multiple_of(wid * per_w, chunk)

        def step(g, carry):
            off = pl.multiple_of(base + g * chunk, chunk)
            pltpu.sync_copy(eps_hbm.at[pl.ds(off, chunk)], buf)

            def inner(i, c):
                s = pl.multiple_of(i * _L, _L)
                buf[pl.ds(s, _L)] = a_vec + b_vec * buf[pl.ds(s, _L)]
                return c

            lax.fori_loop(0, chunk // _L, inner, 0, unroll=8)
            pltpu.sync_copy(buf, out_hbm.at[pl.ds(off, chunk)])
            return carry

        lax.fori_loop(0, steps, step, 0)

    return k


def kernel(prob_mu, prob_sigma, u_mu, u_sigma, eps):
    n = eps.shape[0]
    total = n * _C

    def pad16(v, fill):
        return jnp.concatenate(
            [v, jnp.full((_L - _C,), fill, v.dtype)])

    pm16 = pad16(prob_mu, -1e30)
    ps16 = pad16(prob_sigma, -1e30)
    um16 = pad16(u_mu, 0.5)
    us16 = pad16(u_sigma, 0.5)

    k = _make_sc_kernel(total, chunk=16384)
    flat = k(pm16, ps16, um16, us16, eps.reshape(total))
    return flat.reshape(n, _C)

# --- scband reference (transcript-rebuilt; emitter-appended) ---
"""Pipeline reference for scband-p-9552007266503 (READ-ONLY COPY).

The authoritative reference and input builder live on the scoring server;
editing this copy changes nothing except your own understanding.
"""

import jax, jax.numpy as jnp
import numpy as np

N = 4194304
C = 5


def setup_inputs(seed: int = 0) -> dict:
    key = jax.random.key(seed)
    k1, k2, k3, k4, k5 = jax.random.split(key, 5)
    return {
        # learned parameters of the module (nn.Parameter logits, size 5 each)
        "prob_mu": jax.random.normal(k1, (C,), dtype=jnp.float32),
        "prob_sigma": jax.random.normal(k2, (C,), dtype=jnp.float32),
        # uniform noise driving the Categorical samples (Gumbel-max trick)
        "u_mu": jax.random.uniform(k3, (C,), dtype=jnp.float32, minval=1e-6, maxval=1.0 - 1e-6),
        "u_sigma": jax.random.uniform(k4, (C,), dtype=jnp.float32, minval=1e-6, maxval=1.0 - 1e-6),
        # standard normal noise for the plated Normal sample (plate_1 of size N)
        "eps": jax.random.normal(k5, (N, C), dtype=jnp.float32),
    }


def reference(prob_mu, prob_sigma, u_mu, u_sigma, eps):
    # tr['mu'] = Categorical(logits=prob_mu): sample via Gumbel-max
    g_mu = -jnp.log(-jnp.log(u_mu))
    mu_idx = jnp.argmax(prob_mu + g_mu)
    # tr['sigma'] = Categorical(logits=prob_sigma): sample via Gumbel-max
    g_sigma = -jnp.log(-jnp.log(u_sigma))
    sigma_idx = jnp.argmax(prob_sigma + g_sigma)

    mu_val = mu_idx.astype(jnp.float32)
    sigma_val = sigma_idx.astype(jnp.float32)

    # tr['obs'] = Normal(ones(5) * mu, ones(5) * sigma.exp(), sample_dim=plate_1)
    loc = jnp.ones((C,), dtype=jnp.float32) * mu_val
    scale = jnp.ones((C,), dtype=jnp.float32) * jnp.exp(sigma_val)
    obs = loc[None, :] + scale[None, :] * eps  # [N, C] plated Normal sample
    return obs

if __name__ == "__main__":
    import jax
    _d = setup_inputs()
    print(jax.jit(kernel)(*tuple(_d.values())))

</pallas_src>

<mosaic_0001>
#map = affine_map<(d0, d1) -> (0)>
module attributes {stable_mosaic.version = 14 : i64} {
  func.func @k(%arg0: i32, %arg1: i32, %arg2: memref<16xf32, #tpu.memory_space<hbm>>, %arg3: memref<16xf32, #tpu.memory_space<hbm>>, %arg4: memref<16xf32, #tpu.memory_space<hbm>>, %arg5: memref<16xf32, #tpu.memory_space<hbm>>, %arg6: memref<20971520xf32, #tpu.memory_space<hbm>>, %arg7: memref<20971520xf32, #tpu.memory_space<hbm>>, %arg8: memref<16xf32, #tpu.memory_space<vmem>>, %arg9: memref<16xf32, #tpu.memory_space<vmem>>, %arg10: memref<16xf32, #tpu.memory_space<vmem>>, %arg11: memref<16xf32, #tpu.memory_space<vmem>>, %arg12: memref<16384xf32, #tpu.memory_space<vmem>>) attributes {dimension_semantics = [#tpu.dimension_semantics<core_parallel>, #tpu.dimension_semantics<subcore_parallel>], iteration_bounds = array<i64: 2, 16>, scalar_prefetch = 0 : i64, scratch_operands = 5 : i64, tpu.core_type = #tpu.core_type<sc_vector_subcore>, window_params = [{transform_indices = #map}, {transform_indices = #map}, {transform_indices = #map}, {transform_indices = #map}, {transform_indices = #map}, {transform_indices = #map}]} {
    "tpu.region"() ({
      %run_scoped3A = tpu.sem_alloc : memref<!tpu.dma_semaphore, #tpu.memory_space<semaphore_mem>>
      tpu.enqueue_dma source(%arg2 : memref<16xf32, #tpu.memory_space<hbm>>) target(%arg8 : memref<16xf32, #tpu.memory_space<vmem>>) target_semaphore(%run_scoped3A : memref<!tpu.dma_semaphore, #tpu.memory_space<semaphore_mem>>)
      tpu.wait_dma2 semaphore(%run_scoped3A : memref<!tpu.dma_semaphore, #tpu.memory_space<semaphore_mem>>) src(%arg2 : memref<16xf32, #tpu.memory_space<hbm>>) dst(%arg8 : memref<16xf32, #tpu.memory_space<vmem>>)
      tpu.yield
    }) : () -> ()
    "tpu.region"() ({
      %run_scoped3A = tpu.sem_alloc : memref<!tpu.dma_semaphore, #tpu.memory_space<semaphore_mem>>
      tpu.enqueue_dma source(%arg3 : memref<16xf32, #tpu.memory_space<hbm>>) target(%arg9 : memref<16xf32, #tpu.memory_space<vmem>>) target_semaphore(%run_scoped3A : memref<!tpu.dma_semaphore, #tpu.memory_space<semaphore_mem>>)
      tpu.wait_dma2 semaphore(%run_scoped3A : memref<!tpu.dma_semaphore, #tpu.memory_space<semaphore_mem>>) src(%arg3 : memref<16xf32, #tpu.memory_space<hbm>>) dst(%arg9 : memref<16xf32, #tpu.memory_space<vmem>>)
      tpu.yield
    }) : () -> ()
    "tpu.region"() ({
      %run_scoped3A = tpu.sem_alloc : memref<!tpu.dma_semaphore, #tpu.memory_space<semaphore_mem>>
      tpu.enqueue_dma source(%arg4 : memref<16xf32, #tpu.memory_space<hbm>>) target(%arg10 : memref<16xf32, #tpu.memory_space<vmem>>) target_semaphore(%run_scoped3A : memref<!tpu.dma_semaphore, #tpu.memory_space<semaphore_mem>>)
      tpu.wait_dma2 semaphore(%run_scoped3A : memref<!tpu.dma_semaphore, #tpu.memory_space<semaphore_mem>>) src(%arg4 : memref<16xf32, #tpu.memory_space<hbm>>) dst(%arg10 : memref<16xf32, #tpu.memory_space<vmem>>)
      tpu.yield
    }) : () -> ()
    "tpu.region"() ({
      %run_scoped3A = tpu.sem_alloc : memref<!tpu.dma_semaphore, #tpu.memory_space<semaphore_mem>>
      tpu.enqueue_dma source(%arg5 : memref<16xf32, #tpu.memory_space<hbm>>) target(%arg11 : memref<16xf32, #tpu.memory_space<vmem>>) target_semaphore(%run_scoped3A : memref<!tpu.dma_semaphore, #tpu.memory_space<semaphore_mem>>)
      tpu.wait_dma2 semaphore(%run_scoped3A : memref<!tpu.dma_semaphore, #tpu.memory_space<semaphore_mem>>) src(%arg5 : memref<16xf32, #tpu.memory_space<hbm>>) dst(%arg11 : memref<16xf32, #tpu.memory_space<vmem>>)
      tpu.yield
    }) : () -> ()
    %get3A = arith.constant 0 : index
    %get3A_0 = tpu.vector_load %arg8[%get3A] {strides = array<i32>} : memref<16xf32, #tpu.memory_space<vmem>>, vector<16xf32>,
    %get3A_1 = vector.shape_cast %get3A_0 : vector<16xf32> to vector<16xf32>
    %get3A_2 = arith.constant 0 : index
    %get3A_3 = tpu.vector_load %arg10[%get3A_2] {strides = array<i32>} : memref<16xf32, #tpu.memory_space<vmem>>, vector<16xf32>,
    %get3A_4 = vector.shape_cast %get3A_3 : vector<16xf32> to vector<16xf32>
    %bitcast_convert_type3A = tpu.bitcast %get3A_4 : vector<16xf32> -> vector<16xi32>
    %sub3A = arith.constant 1060439283 : i32
    %sub3A_5 = vector.broadcast %sub3A : i32 to vector<16xi32>
    %sub3A_6 = arith.subi %bitcast_convert_type3A, %sub3A_5 : vector<16xi32>
    %shift_right_arithmetic3A = arith.constant 23 : i32
    %shift_right_arithmetic3A_7 = vector.broadcast %shift_right_arithmetic3A : i32 to vector<16xi32>
    %shift_right_arithmetic3A_8 = arith.shrsi %sub3A_6, %shift_right_arithmetic3A_7 : vector<16xi32>
    %and3A = arith.constant 8388607 : i32
    %and3A_9 = vector.broadcast %and3A : i32 to vector<16xi32>
    %and3A_10 = arith.andi %sub3A_6, %and3A_9 : vector<16xi32>
    %add3A = arith.constant 1060439283 : i32
    %add3A_11 = vector.broadcast %add3A : i32 to vector<16xi32>
    %add3A_12 = arith.addi %and3A_10, %add3A_11 : vector<16xi32>
    %bitcast_convert_type3A_13 = tpu.bitcast %add3A_12 : vector<16xi32> -> vector<16xf32>
    %sub3A_14 = arith.constant 1.000000e+00 : f32
    %sub3A_15 = vector.broadcast %sub3A_14 : f32 to vector<16xf32>
    %sub3A_16 = arith.subf %bitcast_convert_type3A_13, %sub3A_15 : vector<16xf32>
    %add3A_17 = arith.constant 1.000000e+00 : f32
    %add3A_18 = vector.broadcast %add3A_17 : f32 to vector<16xf32>
    %add3A_19 = arith.addf %bitcast_convert_type3A_13, %add3A_18 : vector<16xf32>
    %div3A = arith.divf %sub3A_16, %add3A_19 : vector<16xf32>
    %mul3A = arith.mulf %div3A, %div3A : vector<16xf32>
    %mul3A_20 = arith.constant 0.181818187 : f32
    %mul3A_21 = vector.broadcast %mul3A_20 : f32 to vector<16xf32>
    %mul3A_22 = arith.mulf %mul3A_21, %mul3A : vector<16xf32>
    %add3A_23 = arith.constant 0.222222224 : f32
    %add3A_24 = vector.broadcast %add3A_23 : f32 to vector<16xf32>
    %add3A_25 = arith.addf %mul3A_22, %add3A_24 : vector<16xf32>
    %mul3A_26 = arith.mulf %add3A_25, %mul3A : vector<16xf32>
    %add3A_27 = arith.constant 0.285714298 : f32
    %add3A_28 = vector.broadcast %add3A_27 : f32 to vector<16xf32>
    %add3A_29 = arith.addf %mul3A_26, %add3A_28 : vector<16xf32>
    %mul3A_30 = arith.mulf %add3A_29, %mul3A : vector<16xf32>
    %add3A_31 = arith.constant 4.000000e-01 : f32
    %add3A_32 = vector.broadcast %add3A_31 : f32 to vector<16xf32>
    %add3A_33 = arith.addf %mul3A_30, %add3A_32 : vector<16xf32>
    %mul3A_34 = arith.mulf %add3A_33, %mul3A : vector<16xf32>
    %add3A_35 = arith.constant 0.666666686 : f32
    %add3A_36 = vector.broadcast %add3A_35 : f32 to vector<16xf32>
    %add3A_37 = arith.addf %mul3A_34, %add3A_36 : vector<16xf32>
    %mul3A_38 = arith.mulf %add3A_37, %mul3A : vector<16xf32>
    %add3A_39 = arith.constant 2.000000e+00 : f32
    %add3A_40 = vector.broadcast %add3A_39 : f32 to vector<16xf32>
    %add3A_41 = arith.addf %mul3A_38, %add3A_40 : vector<16xf32>
    %convert_element_type3A = arith.sitofp %shift_right_arithmetic3A_8 : vector<16xi32> to vector<16xf32>
    %mul3A_42 = arith.constant 0.693147182 : f32
    %mul3A_43 = vector.broadcast %mul3A_42 : f32 to vector<16xf32>
    %mul3A_44 = arith.mulf %convert_element_type3A, %mul3A_43 : vector<16xf32>
    %mul3A_45 = arith.mulf %div3A, %add3A_41 : vector<16xf32>
    %add3A_46 = arith.addf %mul3A_44, %mul3A_45 : vector<16xf32>
    %neg3A = arith.constant 0.000000e+00 : f32
    %neg3A_47 = vector.broadcast %neg3A : f32 to vector<16xf32>
    %neg3A_48 = arith.subf %neg3A_47, %add3A_46 : vector<16xf32>
    %bitcast_convert_type3A_49 = tpu.bitcast %neg3A_48 : vector<16xf32> -> vector<16xi32>
    %sub3A_50 = arith.constant 1060439283 : i32
    %sub3A_51 = vector.broadcast %sub3A_50 : i32 to vector<16xi32>
    %sub3A_52 = arith.subi %bitcast_convert_type3A_49, %sub3A_51 : vector<16xi32>
    %shift_right_arithmetic3A_53 = arith.constant 23 : i32
    %shift_right_arithmetic3A_54 = vector.broadcast %shift_right_arithmetic3A_53 : i32 to vector<16xi32>
    %shift_right_arithmetic3A_55 = arith.shrsi %sub3A_52, %shift_right_arithmetic3A_54 : vector<16xi32>
    %and3A_56 = arith.constant 8388607 : i32
    %and3A_57 = vector.broadcast %and3A_56 : i32 to vector<16xi32>
    %and3A_58 = arith.andi %sub3A_52, %and3A_57 : vector<16xi32>
    %add3A_59 = arith.constant 1060439283 : i32
    %add3A_60 = vector.broadcast %add3A_59 : i32 to vector<16xi32>
    %add3A_61 = arith.addi %and3A_58, %add3A_60 : vector<16xi32>
    %bitcast_convert_type3A_62 = tpu.bitcast %add3A_61 : vector<16xi32> -> vector<16xf32>
    %sub3A_63 = arith.constant 1.000000e+00 : f32
    %sub3A_64 = vector.broadcast %sub3A_63 : f32 to vector<16xf32>
    %sub3A_65 = arith.subf %bitcast_convert_type3A_62, %sub3A_64 : vector<16xf32>
    %add3A_66 = arith.constant 1.000000e+00 : f32
    %add3A_67 = vector.broadcast %add3A_66 : f32 to vector<16xf32>
    %add3A_68 = arith.addf %bitcast_convert_type3A_62, %add3A_67 : vector<16xf32>
    %div3A_69 = arith.divf %sub3A_65, %add3A_68 : vector<16xf32>
    %mul3A_70 = arith.mulf %div3A_69, %div3A_69 : vector<16xf32>
    %mul3A_71 = arith.constant 0.181818187 : f32
    %mul3A_72 = vector.broadcast %mul3A_71 : f32 to vector<16xf32>
    %mul3A_73 = arith.mulf %mul3A_72, %mul3A_70 : vector<16xf32>
    %add3A_74 = arith.constant 0.222222224 : f32
    %add3A_75 = vector.broadcast %add3A_74 : f32 to vector<16xf32>
    %add3A_76 = arith.addf %mul3A_73, %add3A_75 : vector<16xf32>
    %mul3A_77 = arith.mulf %add3A_76, %mul3A_70 : vector<16xf32>
    %add3A_78 = arith.constant 0.285714298 : f32
    %add3A_79 = vector.broadcast %add3A_78 : f32 to vector<16xf32>
    %add3A_80 = arith.addf %mul3A_77, %add3A_79 : vector<16xf32>
    %mul3A_81 = arith.mulf %add3A_80, %mul3A_70 : vector<16xf32>
    %add3A_82 = arith.constant 4.000000e-01 : f32
    %add3A_83 = vector.broadcast %add3A_82 : f32 to vector<16xf32>
    %add3A_84 = arith.addf %mul3A_81, %add3A_83 : vector<16xf32>
    %mul3A_85 = arith.mulf %add3A_84, %mul3A_70 : vector<16xf32>
    %add3A_86 = arith.constant 0.666666686 : f32
    %add3A_87 = vector.broadcast %add3A_86 : f32 to vector<16xf32>
    %add3A_88 = arith.addf %mul3A_85, %add3A_87 : vector<16xf32>
    %mul3A_89 = arith.mulf %add3A_88, %mul3A_70 : vector<16xf32>
    %add3A_90 = arith.constant 2.000000e+00 : f32
    %add3A_91 = vector.broadcast %add3A_90 : f32 to vector<16xf32>
    %add3A_92 = arith.addf %mul3A_89, %add3A_91 : vector<16xf32>
    %convert_element_type3A_93 = arith.sitofp %shift_right_arithmetic3A_55 : vector<16xi32> to vector<16xf32>
    %mul3A_94 = arith.constant 0.693147182 : f32
    %mul3A_95 = vector.broadcast %mul3A_94 : f32 to vector<16xf32>
    %mul3A_96 = arith.mulf %convert_element_type3A_93, %mul3A_95 : vector<16xf32>
    %mul3A_97 = arith.mulf %div3A_69, %add3A_92 : vector<16xf32>
    %add3A_98 = arith.addf %mul3A_96, %mul3A_97 : vector<16xf32>
    %neg3A_99 = arith.constant 0.000000e+00 : f32
    %neg3A_100 = vector.broadcast %neg3A_99 : f32 to vector<16xf32>
    %neg3A_101 = arith.subf %neg3A_100, %add3A_98 : vector<16xf32>
    %add3A_102 = arith.addf %get3A_1, %neg3A_101 : vector<16xf32>
    %iota3A = tpu.iota {dimensions = array<i32: 0>} : vector<16xi32>
    %xor3A = arith.constant 8 : i32
    %xor3A_103 = vector.broadcast %xor3A : i32 to vector<16xi32>
    %xor3A_104 = arith.xori %iota3A, %xor3A_103 : vector<16xi32>
    %lt3A = arith.constant 0 : i32
    %lt3A_105 = vector.broadcast %lt3A : i32 to vector<16xi32>
    %lt3A_106 = arith.cmpi slt, %xor3A_104, %lt3A_105 : vector<16xi32>
    %add3A_107 = arith.constant 16 : i32
    %add3A_108 = vector.broadcast %add3A_107 : i32 to vector<16xi32>
    %add3A_109 = arith.addi %xor3A_104, %add3A_108 : vector<16xi32>
    %select_n3A = arith.select %lt3A_106, %add3A_109, %xor3A_104 : vector<16xi1>, vector<16xi32>
    %broadcast_in_dim3A = vector.shape_cast %select_n3A : vector<16xi32> to vector<16x1xi32>
    %gather3A = vector.shape_cast %broadcast_in_dim3A : vector<16x1xi32> to vector<16xi32>
    %gather3A_110 = tpu.dynamic_gather %add3A_102[%gather3A] in [0] : vector<16xf32>, vector<16xi32> -> vector<16xf32>
    %max3A = arith.maximumf %add3A_102, %gather3A_110 : vector<16xf32>
    %xor3A_111 = arith.constant 4 : i32
    %xor3A_112 = vector.broadcast %xor3A_111 : i32 to vector<16xi32>
    %xor3A_113 = arith.xori %iota3A, %xor3A_112 : vector<16xi32>
    %lt3A_114 = arith.constant 0 : i32
    %lt3A_115 = vector.broadcast %lt3A_114 : i32 to vector<16xi32>
    %lt3A_116 = arith.cmpi slt, %xor3A_113, %lt3A_115 : vector<16xi32>
    %add3A_117 = arith.constant 16 : i32
    %add3A_118 = vector.broadcast %add3A_117 : i32 to vector<16xi32>
    %add3A_119 = arith.addi %xor3A_113, %add3A_118 : vector<16xi32>
    %select_n3A_120 = arith.select %lt3A_116, %add3A_119, %xor3A_113 : vector<16xi1>, vector<16xi32>
    %broadcast_in_dim3A_121 = vector.shape_cast %select_n3A_120 : vector<16xi32> to vector<16x1xi32>
    %gather3A_122 = vector.shape_cast %broadcast_in_dim3A_121 : vector<16x1xi32> to vector<16xi32>
    %gather3A_123 = tpu.dynamic_gather %max3A[%gather3A_122] in [0] : vector<16xf32>, vector<16xi32> -> vector<16xf32>
    %max3A_124 = arith.maximumf %max3A, %gather3A_123 : vector<16xf32>
    %xor3A_125 = arith.constant 2 : i32
    %xor3A_126 = vector.broadcast %xor3A_125 : i32 to vector<16xi32>
    %xor3A_127 = arith.xori %iota3A, %xor3A_126 : vector<16xi32>
    %lt3A_128 = arith.constant 0 : i32
    %lt3A_129 = vector.broadcast %lt3A_128 : i32 to vector<16xi32>
    %lt3A_130 = arith.cmpi slt, %xor3A_127, %lt3A_129 : vector<16xi32>
    %add3A_131 = arith.constant 16 : i32
    %add3A_132 = vector.broadcast %add3A_131 : i32 to vector<16xi32>
    %add3A_133 = arith.addi %xor3A_127, %add3A_132 : vector<16xi32>
    %select_n3A_134 = arith.select %lt3A_130, %add3A_133, %xor3A_127 : vector<16xi1>, vector<16xi32>
    %broadcast_in_dim3A_135 = vector.shape_cast %select_n3A_134 : vector<16xi32> to vector<16x1xi32>
    %gather3A_136 = vector.shape_cast %broadcast_in_dim3A_135 : vector<16x1xi32> to vector<16xi32>
    %gather3A_137 = tpu.dynamic_gather %max3A_124[%gather3A_136] in [0] : vector<16xf32>, vector<16xi32> -> vector<16xf32>
    %max3A_138 = arith.maximumf %max3A_124, %gather3A_137 : vector<16xf32>
    %xor3A_139 = arith.constant 1 : i32
    %xor3A_140 = vector.broadcast %xor3A_139 : i32 to vector<16xi32>
    %xor3A_141 = arith.xori %iota3A, %xor3A_140 : vector<16xi32>
    %lt3A_142 = arith.constant 0 : i32
    %lt3A_143 = vector.broadcast %lt3A_142 : i32 to vector<16xi32>
    %lt3A_144 = arith.cmpi slt, %xor3A_141, %lt3A_143 : vector<16xi32>
    %add3A_145 = arith.constant 16 : i32
    %add3A_146 = vector.broadcast %add3A_145 : i32 to vector<16xi32>
    %add3A_147 = arith.addi %xor3A_141, %add3A_146 : vector<16xi32>
    %select_n3A_148 = arith.select %lt3A_144, %add3A_147, %xor3A_141 : vector<16xi1>, vector<16xi32>
    %broadcast_in_dim3A_149 = vector.shape_cast %select_n3A_148 : vector<16xi32> to vector<16x1xi32>
    %gather3A_150 = vector.shape_cast %broadcast_in_dim3A_149 : vector<16x1xi32> to vector<16xi32>
    %gather3A_151 = tpu.dynamic_gather %max3A_138[%gather3A_150] in [0] : vector<16xf32>, vector<16xi32> -> vector<16xf32>
    %max3A_152 = arith.maximumf %max3A_138, %gather3A_151 : vector<16xf32>
    %iota3A_153 = tpu.iota {dimensions = array<i32: 0>} : vector<16xi32>
    %eq3A = arith.cmpf oeq, %add3A_102, %max3A_152 : vector<16xf32>
    %jit3A = arith.constant 16 : i32
    %broadcast_in_dim3A_154 = vector.broadcast %jit3A : i32 to vector<16xi32>
    %select_n3A_155 = arith.select %eq3A, %iota3A_153, %broadcast_in_dim3A_154 : vector<16xi1>, vector<16xi32>
    %iota3A_156 = tpu.iota {dimensions = array<i32: 0>} : vector<16xi32>
    %xor3A_157 = arith.constant 8 : i32
    %xor3A_158 = vector.broadcast %xor3A_157 : i32 to vector<16xi32>
    %xor3A_159 = arith.xori %iota3A_156, %xor3A_158 : vector<16xi32>
    %lt3A_160 = arith.constant 0 : i32
    %lt3A_161 = vector.broadcast %lt3A_160 : i32 to vector<16xi32>
    %lt3A_162 = arith.cmpi slt, %xor3A_159, %lt3A_161 : vector<16xi32>
    %add3A_163 = arith.constant 16 : i32
    %add3A_164 = vector.broadcast %add3A_163 : i32 to vector<16xi32>
    %add3A_165 = arith.addi %xor3A_159, %add3A_164 : vector<16xi32>
    %select_n3A_166 = arith.select %lt3A_162, %add3A_165, %xor3A_159 : vector<16xi1>, vector<16xi32>
    %broadcast_in_dim3A_167 = vector.shape_cast %select_n3A_166 : vector<16xi32> to vector<16x1xi32>
    %gather3A_168 = vector.shape_cast %broadcast_in_dim3A_167 : vector<16x1xi32> to vector<16xi32>
    %gather3A_169 = tpu.dynamic_gather %select_n3A_155[%gather3A_168] in [0] : vector<16xi32>, vector<16xi32> -> vector<16xi32>
    %min3A = arith.minsi %select_n3A_155, %gather3A_169 : vector<16xi32>
    %xor3A_170 = arith.constant 4 : i32
    %xor3A_171 = vector.broadcast %xor3A_170 : i32 to vector<16xi32>
    %xor3A_172 = arith.xori %iota3A_156, %xor3A_171 : vector<16xi32>
    %lt3A_173 = arith.constant 0 : i32
    %lt3A_174 = vector.broadcast %lt3A_173 : i32 to vector<16xi32>
    %lt3A_175 = arith.cmpi slt, %xor3A_172, %lt3A_174 : vector<16xi32>
    %add3A_176 = arith.constant 16 : i32
    %add3A_177 = vector.broadcast %add3A_176 : i32 to vector<16xi32>
    %add3A_178 = arith.addi %xor3A_172, %add3A_177 : vector<16xi32>
    %select_n3A_179 = arith.select %lt3A_175, %add3A_178, %xor3A_172 : vector<16xi1>, vector<16xi32>
    %broadcast_in_dim3A_180 = vector.shape_cast %select_n3A_179 : vector<16xi32> to vector<16x1xi32>
    %gather3A_181 = vector.shape_cast %broadcast_in_dim3A_180 : vector<16x1xi32> to vector<16xi32>
    %gather3A_182 = tpu.dynamic_gather %min3A[%gather3A_181] in [0] : vector<16xi32>, vector<16xi32> -> vector<16xi32>
    %min3A_183 = arith.minsi %min3A, %gather3A_182 : vector<16xi32>
    %xor3A_184 = arith.constant 2 : i32
    %xor3A_185 = vector.broadcast %xor3A_184 : i32 to vector<16xi32>
    %xor3A_186 = arith.xori %iota3A_156, %xor3A_185 : vector<16xi32>
    %lt3A_187 = arith.constant 0 : i32
    %lt3A_188 = vector.broadcast %lt3A_187 : i32 to vector<16xi32>
    %lt3A_189 = arith.cmpi slt, %xor3A_186, %lt3A_188 : vector<16xi32>
    %add3A_190 = arith.constant 16 : i32
    %add3A_191 = vector.broadcast %add3A_190 : i32 to vector<16xi32>
    %add3A_192 = arith.addi %xor3A_186, %add3A_191 : vector<16xi32>
    %select_n3A_193 = arith.select %lt3A_189, %add3A_192, %xor3A_186 : vector<16xi1>, vector<16xi32>
    %broadcast_in_dim3A_194 = vector.shape_cast %select_n3A_193 : vector<16xi32> to vector<16x1xi32>
    %gather3A_195 = vector.shape_cast %broadcast_in_dim3A_194 : vector<16x1xi32> to vector<16xi32>
    %gather3A_196 = tpu.dynamic_gather %min3A_183[%gather3A_195] in [0] : vector<16xi32>, vector<16xi32> -> vector<16xi32>
    %min3A_197 = arith.minsi %min3A_183, %gather3A_196 : vector<16xi32>
    %xor3A_198 = arith.constant 1 : i32
    %xor3A_199 = vector.broadcast %xor3A_198 : i32 to vector<16xi32>
    %xor3A_200 = arith.xori %iota3A_156, %xor3A_199 : vector<16xi32>
    %lt3A_201 = arith.constant 0 : i32
    %lt3A_202 = vector.broadcast %lt3A_201 : i32 to vector<16xi32>
    %lt3A_203 = arith.cmpi slt, %xor3A_200, %lt3A_202 : vector<16xi32>
    %add3A_204 = arith.constant 16 : i32
    %add3A_205 = vector.broadcast %add3A_204 : i32 to vector<16xi32>
    %add3A_206 = arith.addi %xor3A_200, %add3A_205 : vector<16xi32>
    %select_n3A_207 = arith.select %lt3A_203, %add3A_206, %xor3A_200 : vector<16xi1>, vector<16xi32>
    %broadcast_in_dim3A_208 = vector.shape_cast %select_n3A_207 : vector<16xi32> to vector<16x1xi32>
    %gather3A_209 = vector.shape_cast %broadcast_in_dim3A_208 : vector<16x1xi32> to vector<16xi32>
    %gather3A_210 = tpu.dynamic_gather %min3A_197[%gather3A_209] in [0] : vector<16xi32>, vector<16xi32> -> vector<16xi32>
    %min3A_211 = arith.minsi %min3A_197, %gather3A_210 : vector<16xi32>
    %get3A_212 = arith.constant 0 : index
    %get3A_213 = tpu.vector_load %arg9[%get3A_212] {strides = array<i32>} : memref<16xf32, #tpu.memory_space<vmem>>, vector<16xf32>,
    %get3A_214 = vector.shape_cast %get3A_213 : vector<16xf32> to vector<16xf32>
    %get3A_215 = arith.constant 0 : index
    %get3A_216 = tpu.vector_load %arg11[%get3A_215] {strides = array<i32>} : memref<16xf32, #tpu.memory_space<vmem>>, vector<16xf32>,
    %get3A_217 = vector.shape_cast %get3A_216 : vector<16xf32> to vector<16xf32>
    %bitcast_convert_type3A_218 = tpu.bitcast %get3A_217 : vector<16xf32> -> vector<16xi32>
    %sub3A_219 = arith.constant 1060439283 : i32
    %sub3A_220 = vector.broadcast %sub3A_219 : i32 to vector<16xi32>
    %sub3A_221 = arith.subi %bitcast_convert_type3A_218, %sub3A_220 : vector<16xi32>
    %shift_right_arithmetic3A_222 = arith.constant 23 : i32
    %shift_right_arithmetic3A_223 = vector.broadcast %shift_right_arithmetic3A_222 : i32 to vector<16xi32>
    %shift_right_arithmetic3A_224 = arith.shrsi %sub3A_221, %shift_right_arithmetic3A_223 : vector<16xi32>
    %and3A_225 = arith.constant 8388607 : i32
    %and3A_226 = vector.broadcast %and3A_225 : i32 to vector<16xi32>
    %and3A_227 = arith.andi %sub3A_221, %and3A_226 : vector<16xi32>
    %add3A_228 = arith.constant 1060439283 : i32
    %add3A_229 = vector.broadcast %add3A_228 : i32 to vector<16xi32>
    %add3A_230 = arith.addi %and3A_227, %add3A_229 : vector<16xi32>
    %bitcast_convert_type3A_231 = tpu.bitcast %add3A_230 : vector<16xi32> -> vector<16xf32>
    %sub3A_232 = arith.constant 1.000000e+00 : f32
    %sub3A_233 = vector.broadcast %sub3A_232 : f32 to vector<16xf32>
    %sub3A_234 = arith.subf %bitcast_convert_type3A_231, %sub3A_233 : vector<16xf32>
    %add3A_235 = arith.constant 1.000000e+00 : f32
    %add3A_236 = vector.broadcast %add3A_235 : f32 to vector<16xf32>
    %add3A_237 = arith.addf %bitcast_convert_type3A_231, %add3A_236 : vector<16xf32>
    %div3A_238 = arith.divf %sub3A_234, %add3A_237 : vector<16xf32>
    %mul3A_239 = arith.mulf %div3A_238, %div3A_238 : vector<16xf32>
    %mul3A_240 = arith.constant 0.181818187 : f32
    %mul3A_241 = vector.broadcast %mul3A_240 : f32 to vector<16xf32>
    %mul3A_242 = arith.mulf %mul3A_241, %mul3A_239 : vector<16xf32>
    %add3A_243 = arith.constant 0.222222224 : f32
    %add3A_244 = vector.broadcast %add3A_243 : f32 to vector<16xf32>
    %add3A_245 = arith.addf %mul3A_242, %add3A_244 : vector<16xf32>
    %mul3A_246 = arith.mulf %add3A_245, %mul3A_239 : vector<16xf32>
    %add3A_247 = arith.constant 0.285714298 : f32
    %add3A_248 = vector.broadcast %add3A_247 : f32 to vector<16xf32>
    %add3A_249 = arith.addf %mul3A_246, %add3A_248 : vector<16xf32>
    %mul3A_250 = arith.mulf %add3A_249, %mul3A_239 : vector<16xf32>
    %add3A_251 = arith.constant 4.000000e-01 : f32
    %add3A_252 = vector.broadcast %add3A_251 : f32 to vector<16xf32>
    %add3A_253 = arith.addf %mul3A_250, %add3A_252 : vector<16xf32>
    %mul3A_254 = arith.mulf %add3A_253, %mul3A_239 : vector<16xf32>
    %add3A_255 = arith.constant 0.666666686 : f32
    %add3A_256 = vector.broadcast %add3A_255 : f32 to vector<16xf32>
    %add3A_257 = arith.addf %mul3A_254, %add3A_256 : vector<16xf32>
    %mul3A_258 = arith.mulf %add3A_257, %mul3A_239 : vector<16xf32>
    %add3A_259 = arith.constant 2.000000e+00 : f32
    %add3A_260 = vector.broadcast %add3A_259 : f32 to vector<16xf32>
    %add3A_261 = arith.addf %mul3A_258, %add3A_260 : vector<16xf32>
    %convert_element_type3A_262 = arith.sitofp %shift_right_arithmetic3A_224 : vector<16xi32> to vector<16xf32>
    %mul3A_263 = arith.constant 0.693147182 : f32
    %mul3A_264 = vector.broadcast %mul3A_263 : f32 to vector<16xf32>
    %mul3A_265 = arith.mulf %convert_element_type3A_262, %mul3A_264 : vector<16xf32>
    %mul3A_266 = arith.mulf %div3A_238, %add3A_261 : vector<16xf32>
    %add3A_267 = arith.addf %mul3A_265, %mul3A_266 : vector<16xf32>
    %neg3A_268 = arith.constant 0.000000e+00 : f32
    %neg3A_269 = vector.broadcast %neg3A_268 : f32 to vector<16xf32>
    %neg3A_270 = arith.subf %neg3A_269, %add3A_267 : vector<16xf32>
    %bitcast_convert_type3A_271 = tpu.bitcast %neg3A_270 : vector<16xf32> -> vector<16xi32>
    %sub3A_272 = arith.constant 1060439283 : i32
    %sub3A_273 = vector.broadcast %sub3A_272 : i32 to vector<16xi32>
    %sub3A_274 = arith.subi %bitcast_convert_type3A_271, %sub3A_273 : vector<16xi32>
    %shift_right_arithmetic3A_275 = arith.constant 23 : i32
    %shift_right_arithmetic3A_276 = vector.broadcast %shift_right_arithmetic3A_275 : i32 to vector<16xi32>
    %shift_right_arithmetic3A_277 = arith.shrsi %sub3A_274, %shift_right_arithmetic3A_276 : vector<16xi32>
    %and3A_278 = arith.constant 8388607 : i32
    %and3A_279 = vector.broadcast %and3A_278 : i32 to vector<16xi32>
    %and3A_280 = arith.andi %sub3A_274, %and3A_279 : vector<16xi32>
    %add3A_281 = arith.constant 1060439283 : i32
    %add3A_282 = vector.broadcast %add3A_281 : i32 to vector<16xi32>
    %add3A_283 = arith.addi %and3A_280, %add3A_282 : vector<16xi32>
    %bitcast_convert_type3A_284 = tpu.bitcast %add3A_283 : vector<16xi32> -> vector<16xf32>
    %sub3A_285 = arith.constant 1.000000e+00 : f32
    %sub3A_286 = vector.broadcast %sub3A_285 : f32 to vector<16xf32>
    %sub3A_287 = arith.subf %bitcast_convert_type3A_284, %sub3A_286 : vector<16xf32>
    %add3A_288 = arith.constant 1.000000e+00 : f32
    %add3A_289 = vector.broadcast %add3A_288 : f32 to vector<16xf32>
    %add3A_290 = arith.addf %bitcast_convert_type3A_284, %add3A_289 : vector<16xf32>
    %div3A_291 = arith.divf %sub3A_287, %add3A_290 : vector<16xf32>
    %mul3A_292 = arith.mulf %div3A_291, %div3A_291 : vector<16xf32>
    %mul3A_293 = arith.constant 0.181818187 : f32
    %mul3A_294 = vector.broadcast %mul3A_293 : f32 to vector<16xf32>
    %mul3A_295 = arith.mulf %mul3A_294, %mul3A_292 : vector<16xf32>
    %add3A_296 = arith.constant 0.222222224 : f32
    %add3A_297 = vector.broadcast %add3A_296 : f32 to vector<16xf32>
    %add3A_298 = arith.addf %mul3A_295, %add3A_297 : vector<16xf32>
    %mul3A_299 = arith.mulf %add3A_298, %mul3A_292 : vector<16xf32>
    %add3A_300 = arith.constant 0.285714298 : f32
    %add3A_301 = vector.broadcast %add3A_300 : f32 to vector<16xf32>
    %add3A_302 = arith.addf %mul3A_299, %add3A_301 : vector<16xf32>
    %mul3A_303 = arith.mulf %add3A_302, %mul3A_292 : vector<16xf32>
    %add3A_304 = arith.constant 4.000000e-01 : f32
    %add3A_305 = vector.broadcast %add3A_304 : f32 to vector<16xf32>
    %add3A_306 = arith.addf %mul3A_303, %add3A_305 : vector<16xf32>
    %mul3A_307 = arith.mulf %add3A_306, %mul3A_292 : vector<16xf32>
    %add3A_308 = arith.constant 0.666666686 : f32
    %add3A_309 = vector.broadcast %add3A_308 : f32 to vector<16xf32>
    %add3A_310 = arith.addf %mul3A_307, %add3A_309 : vector<16xf32>
    %mul3A_311 = arith.mulf %add3A_310, %mul3A_292 : vector<16xf32>
    %add3A_312 = arith.constant 2.000000e+00 : f32
    %add3A_313 = vector.broadcast %add3A_312 : f32 to vector<16xf32>
    %add3A_314 = arith.addf %mul3A_311, %add3A_313 : vector<16xf32>
    %convert_element_type3A_315 = arith.sitofp %shift_right_arithmetic3A_277 : vector<16xi32> to vector<16xf32>
    %mul3A_316 = arith.constant 0.693147182 : f32
    %mul3A_317 = vector.broadcast %mul3A_316 : f32 to vector<16xf32>
    %mul3A_318 = arith.mulf %convert_element_type3A_315, %mul3A_317 : vector<16xf32>
    %mul3A_319 = arith.mulf %div3A_291, %add3A_314 : vector<16xf32>
    %add3A_320 = arith.addf %mul3A_318, %mul3A_319 : vector<16xf32>
    %neg3A_321 = arith.constant 0.000000e+00 : f32
    %neg3A_322 = vector.broadcast %neg3A_321 : f32 to vector<16xf32>
    %neg3A_323 = arith.subf %neg3A_322, %add3A_320 : vector<16xf32>
    %add3A_324 = arith.addf %get3A_214, %neg3A_323 : vector<16xf32>
    %iota3A_325 = tpu.iota {dimensions = array<i32: 0>} : vector<16xi32>
    %xor3A_326 = arith.constant 8 : i32
    %xor3A_327 = vector.broadcast %xor3A_326 : i32 to vector<16xi32>
    %xor3A_328 = arith.xori %iota3A_325, %xor3A_327 : vector<16xi32>
    %lt3A_329 = arith.constant 0 : i32
    %lt3A_330 = vector.broadcast %lt3A_329 : i32 to vector<16xi32>
    %lt3A_331 = arith.cmpi slt, %xor3A_328, %lt3A_330 : vector<16xi32>
    %add3A_332 = arith.constant 16 : i32
    %add3A_333 = vector.broadcast %add3A_332 : i32 to vector<16xi32>
    %add3A_334 = arith.addi %xor3A_328, %add3A_333 : vector<16xi32>
    %select_n3A_335 = arith.select %lt3A_331, %add3A_334, %xor3A_328 : vector<16xi1>, vector<16xi32>
    %broadcast_in_dim3A_336 = vector.shape_cast %select_n3A_335 : vector<16xi32> to vector<16x1xi32>
    %gather3A_337 = vector.shape_cast %broadcast_in_dim3A_336 : vector<16x1xi32> to vector<16xi32>
    %gather3A_338 = tpu.dynamic_gather %add3A_324[%gather3A_337] in [0] : vector<16xf32>, vector<16xi32> -> vector<16xf32>
    %max3A_339 = arith.maximumf %add3A_324, %gather3A_338 : vector<16xf32>
    %xor3A_340 = arith.constant 4 : i32
    %xor3A_341 = vector.broadcast %xor3A_340 : i32 to vector<16xi32>
    %xor3A_342 = arith.xori %iota3A_325, %xor3A_341 : vector<16xi32>
    %lt3A_343 = arith.constant 0 : i32
    %lt3A_344 = vector.broadcast %lt3A_343 : i32 to vector<16xi32>
    %lt3A_345 = arith.cmpi slt, %xor3A_342, %lt3A_344 : vector<16xi32>
    %add3A_346 = arith.constant 16 : i32
    %add3A_347 = vector.broadcast %add3A_346 : i32 to vector<16xi32>
    %add3A_348 = arith.addi %xor3A_342, %add3A_347 : vector<16xi32>
    %select_n3A_349 = arith.select %lt3A_345, %add3A_348, %xor3A_342 : vector<16xi1>, vector<16xi32>
    %broadcast_in_dim3A_350 = vector.shape_cast %select_n3A_349 : vector<16xi32> to vector<16x1xi32>
    %gather3A_351 = vector.shape_cast %broadcast_in_dim3A_350 : vector<16x1xi32> to vector<16xi32>
    %gather3A_352 = tpu.dynamic_gather %max3A_339[%gather3A_351] in [0] : vector<16xf32>, vector<16xi32> -> vector<16xf32>
    %max3A_353 = arith.maximumf %max3A_339, %gather3A_352 : vector<16xf32>
    %xor3A_354 = arith.constant 2 : i32
    %xor3A_355 = vector.broadcast %xor3A_354 : i32 to vector<16xi32>
    %xor3A_356 = arith.xori %iota3A_325, %xor3A_355 : vector<16xi32>
    %lt3A_357 = arith.constant 0 : i32
    %lt3A_358 = vector.broadcast %lt3A_357 : i32 to vector<16xi32>
    %lt3A_359 = arith.cmpi slt, %xor3A_356, %lt3A_358 : vector<16xi32>
    %add3A_360 = arith.constant 16 : i32
    %add3A_361 = vector.broadcast %add3A_360 : i32 to vector<16xi32>
    %add3A_362 = arith.addi %xor3A_356, %add3A_361 : vector<16xi32>
    %select_n3A_363 = arith.select %lt3A_359, %add3A_362, %xor3A_356 : vector<16xi1>, vector<16xi32>
    %broadcast_in_dim3A_364 = vector.shape_cast %select_n3A_363 : vector<16xi32> to vector<16x1xi32>
    %gather3A_365 = vector.shape_cast %broadcast_in_dim3A_364 : vector<16x1xi32> to vector<16xi32>
    %gather3A_366 = tpu.dynamic_gather %max3A_353[%gather3A_365] in [0] : vector<16xf32>, vector<16xi32> -> vector<16xf32>
    %max3A_367 = arith.maximumf %max3A_353, %gather3A_366 : vector<16xf32>
    %xor3A_368 = arith.constant 1 : i32
    %xor3A_369 = vector.broadcast %xor3A_368 : i32 to vector<16xi32>
    %xor3A_370 = arith.xori %iota3A_325, %xor3A_369 : vector<16xi32>
    %lt3A_371 = arith.constant 0 : i32
    %lt3A_372 = vector.broadcast %lt3A_371 : i32 to vector<16xi32>
    %lt3A_373 = arith.cmpi slt, %xor3A_370, %lt3A_372 : vector<16xi32>
    %add3A_374 = arith.constant 16 : i32
    %add3A_375 = vector.broadcast %add3A_374 : i32 to vector<16xi32>
    %add3A_376 = arith.addi %xor3A_370, %add3A_375 : vector<16xi32>
    %select_n3A_377 = arith.select %lt3A_373, %add3A_376, %xor3A_370 : vector<16xi1>, vector<16xi32>
    %broadcast_in_dim3A_378 = vector.shape_cast %select_n3A_377 : vector<16xi32> to vector<16x1xi32>
    %gather3A_379 = vector.shape_cast %broadcast_in_dim3A_378 : vector<16x1xi32> to vector<16xi32>
    %gather3A_380 = tpu.dynamic_gather %max3A_367[%gather3A_379] in [0] : vector<16xf32>, vector<16xi32> -> vector<16xf32>
    %max3A_381 = arith.maximumf %max3A_367, %gather3A_380 : vector<16xf32>
    %iota3A_382 = tpu.iota {dimensions = array<i32: 0>} : vector<16xi32>
    %eq3A_383 = arith.cmpf oeq, %add3A_324, %max3A_381 : vector<16xf32>
    %jit3A_384 = arith.constant 16 : i32
    %broadcast_in_dim3A_385 = vector.broadcast %jit3A_384 : i32 to vector<16xi32>
    %select_n3A_386 = arith.select %eq3A_383, %iota3A_382, %broadcast_in_dim3A_385 : vector<16xi1>, vector<16xi32>
    %iota3A_387 = tpu.iota {dimensions = array<i32: 0>} : vector<16xi32>
    %xor3A_388 = arith.constant 8 : i32
    %xor3A_389 = vector.broadcast %xor3A_388 : i32 to vector<16xi32>
    %xor3A_390 = arith.xori %iota3A_387, %xor3A_389 : vector<16xi32>
    %lt3A_391 = arith.constant 0 : i32
    %lt3A_392 = vector.broadcast %lt3A_391 : i32 to vector<16xi32>
    %lt3A_393 = arith.cmpi slt, %xor3A_390, %lt3A_392 : vector<16xi32>
    %add3A_394 = arith.constant 16 : i32
    %add3A_395 = vector.broadcast %add3A_394 : i32 to vector<16xi32>
    %add3A_396 = arith.addi %xor3A_390, %add3A_395 : vector<16xi32>
    %select_n3A_397 = arith.select %lt3A_393, %add3A_396, %xor3A_390 : vector<16xi1>, vector<16xi32>
    %broadcast_in_dim3A_398 = vector.shape_cast %select_n3A_397 : vector<16xi32> to vector<16x1xi32>
    %gather3A_399 = vector.shape_cast %broadcast_in_dim3A_398 : vector<16x1xi32> to vector<16xi32>
    %gather3A_400 = tpu.dynamic_gather %select_n3A_386[%gather3A_399] in [0] : vector<16xi32>, vector<16xi32> -> vector<16xi32>
    %min3A_401 = arith.minsi %select_n3A_386, %gather3A_400 : vector<16xi32>
    %xor3A_402 = arith.constant 4 : i32
    %xor3A_403 = vector.broadcast %xor3A_402 : i32 to vector<16xi32>
    %xor3A_404 = arith.xori %iota3A_387, %xor3A_403 : vector<16xi32>
    %lt3A_405 = arith.constant 0 : i32
    %lt3A_406 = vector.broadcast %lt3A_405 : i32 to vector<16xi32>
    %lt3A_407 = arith.cmpi slt, %xor3A_404, %lt3A_406 : vector<16xi32>
    %add3A_408 = arith.constant 16 : i32
    %add3A_409 = vector.broadcast %add3A_408 : i32 to vector<16xi32>
    %add3A_410 = arith.addi %xor3A_404, %add3A_409 : vector<16xi32>
    %select_n3A_411 = arith.select %lt3A_407, %add3A_410, %xor3A_404 : vector<16xi1>, vector<16xi32>
    %broadcast_in_dim3A_412 = vector.shape_cast %select_n3A_411 : vector<16xi32> to vector<16x1xi32>
    %gather3A_413 = vector.shape_cast %broadcast_in_dim3A_412 : vector<16x1xi32> to vector<16xi32>
    %gather3A_414 = tpu.dynamic_gather %min3A_401[%gather3A_413] in [0] : vector<16xi32>, vector<16xi32> -> vector<16xi32>
    %min3A_415 = arith.minsi %min3A_401, %gather3A_414 : vector<16xi32>
    %xor3A_416 = arith.constant 2 : i32
    %xor3A_417 = vector.broadcast %xor3A_416 : i32 to vector<16xi32>
    %xor3A_418 = arith.xori %iota3A_387, %xor3A_417 : vector<16xi32>
    %lt3A_419 = arith.constant 0 : i32
    %lt3A_420 = vector.broadcast %lt3A_419 : i32 to vector<16xi32>
    %lt3A_421 = arith.cmpi slt, %xor3A_418, %lt3A_420 : vector<16xi32>
    %add3A_422 = arith.constant 16 : i32
    %add3A_423 = vector.broadcast %add3A_422 : i32 to vector<16xi32>
    %add3A_424 = arith.addi %xor3A_418, %add3A_423 : vector<16xi32>
    %select_n3A_425 = arith.select %lt3A_421, %add3A_424, %xor3A_418 : vector<16xi1>, vector<16xi32>
    %broadcast_in_dim3A_426 = vector.shape_cast %select_n3A_425 : vector<16xi32> to vector<16x1xi32>
    %gather3A_427 = vector.shape_cast %broadcast_in_dim3A_426 : vector<16x1xi32> to vector<16xi32>
    %gather3A_428 = tpu.dynamic_gather %min3A_415[%gather3A_427] in [0] : vector<16xi32>, vector<16xi32> -> vector<16xi32>
    %min3A_429 = arith.minsi %min3A_415, %gather3A_428 : vector<16xi32>
    %xor3A_430 = arith.constant 1 : i32
    %xor3A_431 = vector.broadcast %xor3A_430 : i32 to vector<16xi32>
    %xor3A_432 = arith.xori %iota3A_387, %xor3A_431 : vector<16xi32>
    %lt3A_433 = arith.constant 0 : i32
    %lt3A_434 = vector.broadcast %lt3A_433 : i32 to vector<16xi32>
    %lt3A_435 = arith.cmpi slt, %xor3A_432, %lt3A_434 : vector<16xi32>
    %add3A_436 = arith.constant 16 : i32
    %add3A_437 = vector.broadcast %add3A_436 : i32 to vector<16xi32>
    %add3A_438 = arith.addi %xor3A_432, %add3A_437 : vector<16xi32>
    %select_n3A_439 = arith.select %lt3A_435, %add3A_438, %xor3A_432 : vector<16xi1>, vector<16xi32>
    %broadcast_in_dim3A_440 = vector.shape_cast %select_n3A_439 : vector<16xi32> to vector<16x1xi32>
    %gather3A_441 = vector.shape_cast %broadcast_in_dim3A_440 : vector<16x1xi32> to vector<16xi32>
    %gather3A_442 = tpu.dynamic_gather %min3A_429[%gather3A_441] in [0] : vector<16xi32>, vector<16xi32> -> vector<16xi32>
    %min3A_443 = arith.minsi %min3A_429, %gather3A_442 : vector<16xi32>
    %convert_element_type3A_444 = arith.sitofp %min3A_211 : vector<16xi32> to vector<16xf32>
    %convert_element_type3A_445 = arith.sitofp %min3A_443 : vector<16xi32> to vector<16xf32>
    %exp3A = math.exp %convert_element_type3A_445 : vector<16xf32>
    %mul3A_446 = arith.constant 2 : i32
    %mul3A_447 = arith.muli %arg1, %mul3A_446 : i32
    %add3A_448 = arith.addi %mul3A_447, %arg0 : i32
    %mul3A_449 = arith.constant 655360 : i32
    %mul3A_450 = arith.muli %add3A_448, %mul3A_449 : i32
    %multiple_of3A = tpu.assume_multiple %mul3A_450, 16384 : i32
    %scan3A = arith.constant 0 : i32
    %scan3A_451 = arith.constant 0 : i32
    %scan3A_452 = arith.constant 40 : i32
    %scan3A_453 = arith.addi %scan3A_451, %scan3A_452 : i32
    %scan3A_454 = arith.constant 1 : i32
    scf.for %scan3A_456 = %scan3A_451 to %scan3A_453 step %scan3A_454  : i32 {
      %mul3A_457 = arith.constant 16384 : i32
      %mul3A_458 = arith.muli %scan3A_456, %mul3A_457 : i32
      %add3A_459 = arith.addi %multiple_of3A, %mul3A_458 : i32
      %multiple_of3A_460 = tpu.assume_multiple %add3A_459, 16384 : i32
      "tpu.region"() ({
        %run_scoped3A = tpu.sem_alloc : memref<!tpu.dma_semaphore, #tpu.memory_space<semaphore_mem>>
        %dma_start3A = tpu.memref_slice %arg6[%multiple_of3A_460] : memref<20971520xf32, #tpu.memory_space<hbm>> -> memref<16384xf32, #tpu.memory_space<hbm>>
        %dma_start3A_467 = tpu.memref_slice %arg6[%multiple_of3A_460] : memref<20971520xf32, #tpu.memory_space<hbm>> -> memref<16384xf32, #tpu.memory_space<hbm>>
        tpu.enqueue_dma source(%dma_start3A_467 : memref<16384xf32, #tpu.memory_space<hbm>>) target(%arg12 : memref<16384xf32, #tpu.memory_space<vmem>>) target_semaphore(%run_scoped3A : memref<!tpu.dma_semaphore, #tpu.memory_space<semaphore_mem>>)
        %dma_wait3A = tpu.memref_slice %arg6[%multiple_of3A_460] : memref<20971520xf32, #tpu.memory_space<hbm>> -> memref<16384xf32, #tpu.memory_space<hbm>>
        %dma_wait3A_468 = tpu.memref_slice %arg6[%multiple_of3A_460] : memref<20971520xf32, #tpu.memory_space<hbm>> -> memref<16384xf32, #tpu.memory_space<hbm>>
        tpu.wait_dma2 semaphore(%run_scoped3A : memref<!tpu.dma_semaphore, #tpu.memory_space<semaphore_mem>>) src(%dma_wait3A_468 : memref<16384xf32, #tpu.memory_space<hbm>>) dst(%arg12 : memref<16384xf32, #tpu.memory_space<vmem>>)
        tpu.yield
      }) : () -> ()
      %scan3A_461 = arith.constant 0 : i32
      %scan3A_462 = arith.constant 0 : i32
      %scan3A_463 = arith.constant 1024 : i32
      %scan3A_464 = arith.addi %scan3A_462, %scan3A_463 : i32
      %scan3A_465 = arith.constant 8 : i32
      scf.for %scan3A_467 = %scan3A_462 to %scan3A_464 step %scan3A_465  : i32 {
        %mul3A_468 = arith.constant 16 : i32
        %mul3A_469 = arith.muli %scan3A_467, %mul3A_468 : i32
        %multiple_of3A_470 = tpu.assume_multiple %mul3A_469, 16 : i32
        %get3A_471 = arith.index_cast %multiple_of3A_470 : i32 to index
        %get3A_472 = tpu.vector_load %arg12[%get3A_471] {strides = array<i32>} : memref<16384xf32, #tpu.memory_space<vmem>>, vector<16xf32>,
        %get3A_473 = vector.shape_cast %get3A_472 : vector<16xf32> to vector<16xf32>
        %mul3A_474 = arith.mulf %exp3A, %get3A_473 : vector<16xf32>
        %add3A_475 = arith.addf %convert_element_type3A_444, %mul3A_474 : vector<16xf32>
        %swap3A = arith.index_cast %multiple_of3A_470 : i32 to index
        %swap3A_476 = tpu.vector_load %arg12[%swap3A] {strides = array<i32>} : memref<16384xf32, #tpu.memory_space<vmem>>, vector<16xf32>,
        %swap3A_477 = vector.shape_cast %swap3A_476 : vector<16xf32> to vector<16xf32>
        %swap3A_478 = vector.shape_cast %add3A_475 : vector<16xf32> to vector<16xf32>
        tpu.vector_store %arg12[%swap3A], %swap3A_478 {strides = array<i32>} : memref<16384xf32, #tpu.memory_space<vmem>>, vector<16xf32>,
        %scan3A_479 = arith.constant 1 : i32
        %scan3A_480 = arith.addi %scan3A_467, %scan3A_479 : i32
        %mul3A_481 = arith.constant 16 : i32
        %mul3A_482 = arith.muli %scan3A_480, %mul3A_481 : i32
        %multiple_of3A_483 = tpu.assume_multiple %mul3A_482, 16 : i32
        %get3A_484 = arith.index_cast %multiple_of3A_483 : i32 to index
        %get3A_485 = tpu.vector_load %arg12[%get3A_484] {strides = array<i32>} : memref<16384xf32, #tpu.memory_space<vmem>>, vector<16xf32>,
        %get3A_486 = vector.shape_cast %get3A_485 : vector<16xf32> to vector<16xf32>
        %mul3A_487 = arith.mulf %exp3A, %get3A_486 : vector<16xf32>
        %add3A_488 = arith.addf %convert_element_type3A_444, %mul3A_487 : vector<16xf32>
        %swap3A_489 = arith.index_cast %multiple_of3A_483 : i32 to index
        %swap3A_490 = tpu.vector_load %arg12[%swap3A_489] {strides = array<i32>} : memref<16384xf32, #tpu.memory_space<vmem>>, vector<16xf32>,
        %swap3A_491 = vector.shape_cast %swap3A_490 : vector<16xf32> to vector<16xf32>
        %swap3A_492 = vector.shape_cast %add3A_488 : vector<16xf32> to vector<16xf32>
        tpu.vector_store %arg12[%swap3A_489], %swap3A_492 {strides = array<i32>} : memref<16384xf32, #tpu.memory_space<vmem>>, vector<16xf32>,
        %scan3A_493 = arith.constant 2 : i32
        %scan3A_494 = arith.addi %scan3A_467, %scan3A_493 : i32
        %mul3A_495 = arith.constant 16 : i32
        %mul3A_496 = arith.muli %scan3A_494, %mul3A_495 : i32
        %multiple_of3A_497 = tpu.assume_multiple %mul3A_496, 16 : i32
        %get3A_498 = arith.index_cast %multiple_of3A_497 : i32 to index
        %get3A_499 = tpu.vector_load %arg12[%get3A_498] {strides = array<i32>} : memref<16384xf32, #tpu.memory_space<vmem>>, vector<16xf32>,
        %get3A_500 = vector.shape_cast %get3A_499 : vector<16xf32> to vector<16xf32>
        %mul3A_501 = arith.mulf %exp3A, %get3A_500 : vector<16xf32>
        %add3A_502 = arith.addf %convert_element_type3A_444, %mul3A_501 : vector<16xf32>
        %swap3A_503 = arith.index_cast %multiple_of3A_497 : i32 to index
        %swap3A_504 = tpu.vector_load %arg12[%swap3A_503] {strides = array<i32>} : memref<16384xf32, #tpu.memory_space<vmem>>, vector<16xf32>,
        %swap3A_505 = vector.shape_cast %swap3A_504 : vector<16xf32> to vector<16xf32>
        %swap3A_506 = vector.shape_cast %add3A_502 : vector<16xf32> to vector<16xf32>
        tpu.vector_store %arg12[%swap3A_503], %swap3A_506 {strides = array<i32>} : memref<16384xf32, #tpu.memory_space<vmem>>, vector<16xf32>,
        %scan3A_507 = arith.constant 3 : i32
        %scan3A_508 = arith.addi %scan3A_467, %scan3A_507 : i32
        %mul3A_509 = arith.constant 16 : i32
        %mul3A_510 = arith.muli %scan3A_508, %mul3A_509 : i32
        %multiple_of3A_511 = tpu.assume_multiple %mul3A_510, 16 : i32
        %get3A_512 = arith.index_cast %multiple_of3A_511 : i32 to index
        %get3A_513 = tpu.vector_load %arg12[%get3A_512] {strides = array<i32>} : memref<16384xf32, #tpu.memory_space<vmem>>, vector<16xf32>,
        %get3A_514 = vector.shape_cast %get3A_513 : vector<16xf32> to vector<16xf32>
        %mul3A_515 = arith.mulf %exp3A, %get3A_514 : vector<16xf32>
        %add3A_516 = arith.addf %convert_element_type3A_444, %mul3A_515 : vector<16xf32>
        %swap3A_517 = arith.index_cast %multiple_of3A_511 : i32 to index
        %swap3A_518 = tpu.vector_load %arg12[%swap3A_517] {strides = array<i32>} : memref<16384xf32, #tpu.memory_space<vmem>>, vector<16xf32>,
        %swap3A_519 = vector.shape_cast %swap3A_518 : vector<16xf32> to vector<16xf32>
        %swap3A_520 = vector.shape_cast %add3A_516 : vector<16xf32> to vector<16xf32>
        tpu.vector_store %arg12[%swap3A_517], %swap3A_520 {strides = array<i32>} : memref<16384xf32, #tpu.memory_space<vmem>>, vector<16xf32>,
        %scan3A_521 = arith.constant 4 : i32
        %scan3A_522 = arith.addi %scan3A_467, %scan3A_521 : i32
        %mul3A_523 = arith.constant 16 : i32
        %mul3A_524 = arith.muli %scan3A_522, %mul3A_523 : i32
        %multiple_of3A_525 = tpu.assume_multiple %mul3A_524, 16 : i32
        %get3A_526 = arith.index_cast %multiple_of3A_525 : i32 to index
        %get3A_527 = tpu.vector_load %arg12[%get3A_526] {strides = array<i32>} : memref<16384xf32, #tpu.memory_space<vmem>>, vector<16xf32>,
        %get3A_528 = vector.shape_cast %get3A_527 : vector<16xf32> to vector<16xf32>
        %mul3A_529 = arith.mulf %exp3A, %get3A_528 : vector<16xf32>
        %add3A_530 = arith.addf %convert_element_type3A_444, %mul3A_529 : vector<16xf32>
        %swap3A_531 = arith.index_cast %multiple_of3A_525 : i32 to index
        %swap3A_532 = tpu.vector_load %arg12[%swap3A_531] {strides = array<i32>} : memref<16384xf32, #tpu.memory_space<vmem>>, vector<16xf32>,
        %swap3A_533 = vector.shape_cast %swap3A_532 : vector<16xf32> to vector<16xf32>
        %swap3A_534 = vector.shape_cast %add3A_530 : vector<16xf32> to vector<16xf32>
        tpu.vector_store %arg12[%swap3A_531], %swap3A_534 {strides = array<i32>} : memref<16384xf32, #tpu.memory_space<vmem>>, vector<16xf32>,
        %scan3A_535 = arith.constant 5 : i32
        %scan3A_536 = arith.addi %scan3A_467, %scan3A_535 : i32
        %mul3A_537 = arith.constant 16 : i32
        %mul3A_538 = arith.muli %scan3A_536, %mul3A_537 : i32
        %multiple_of3A_539 = tpu.assume_multiple %mul3A_538, 16 : i32
        %get3A_540 = arith.index_cast %multiple_of3A_539 : i32 to index
        %get3A_541 = tpu.vector_load %arg12[%get3A_540] {strides = array<i32>} : memref<16384xf32, #tpu.memory_space<vmem>>, vector<16xf32>,
        %get3A_542 = vector.shape_cast %get3A_541 : vector<16xf32> to vector<16xf32>
        %mul3A_543 = arith.mulf %exp3A, %get3A_542 : vector<16xf32>
        %add3A_544 = arith.addf %convert_element_type3A_444, %mul3A_543 : vector<16xf32>
        %swap3A_545 = arith.index_cast %multiple_of3A_539 : i32 to index
        %swap3A_546 = tpu.vector_load %arg12[%swap3A_545] {strides = array<i32>} : memref<16384xf32, #tpu.memory_space<vmem>>, vector<16xf32>,
        %swap3A_547 = vector.shape_cast %swap3A_546 : vector<16xf32> to vector<16xf32>
        %swap3A_548 = vector.shape_cast %add3A_544 : vector<16xf32> to vector<16xf32>
        tpu.vector_store %arg12[%swap3A_545], %swap3A_548 {strides = array<i32>} : memref<16384xf32, #tpu.memory_space<vmem>>, vector<16xf32>,
        %scan3A_549 = arith.constant 6 : i32
        %scan3A_550 = arith.addi %scan3A_467, %scan3A_549 : i32
        %mul3A_551 = arith.constant 16 : i32
        %mul3A_552 = arith.muli %scan3A_550, %mul3A_551 : i32
        %multiple_of3A_553 = tpu.assume_multiple %mul3A_552, 16 : i32
        %get3A_554 = arith.index_cast %multiple_of3A_553 : i32 to index
        %get3A_555 = tpu.vector_load %arg12[%get3A_554] {strides = array<i32>} : memref<16384xf32, #tpu.memory_space<vmem>>, vector<16xf32>,
        %get3A_556 = vector.shape_cast %get3A_555 : vector<16xf32> to vector<16xf32>
        %mul3A_557 = arith.mulf %exp3A, %get3A_556 : vector<16xf32>
        %add3A_558 = arith.addf %convert_element_type3A_444, %mul3A_557 : vector<16xf32>
        %swap3A_559 = arith.index_cast %multiple_of3A_553 : i32 to index
        %swap3A_560 = tpu.vector_load %arg12[%swap3A_559] {strides = array<i32>} : memref<16384xf32, #tpu.memory_space<vmem>>, vector<16xf32>,
        %swap3A_561 = vector.shape_cast %swap3A_560 : vector<16xf32> to vector<16xf32>
        %swap3A_562 = vector.shape_cast %add3A_558 : vector<16xf32> to vector<16xf32>
        tpu.vector_store %arg12[%swap3A_559], %swap3A_562 {strides = array<i32>} : memref<16384xf32, #tpu.memory_space<vmem>>, vector<16xf32>,
        %scan3A_563 = arith.constant 7 : i32
        %scan3A_564 = arith.addi %scan3A_467, %scan3A_563 : i32
        %mul3A_565 = arith.constant 16 : i32
        %mul3A_566 = arith.muli %scan3A_564, %mul3A_565 : i32
        %multiple_of3A_567 = tpu.assume_multiple %mul3A_566, 16 : i32
        %get3A_568 = arith.index_cast %multiple_of3A_567 : i32 to index
        %get3A_569 = tpu.vector_load %arg12[%get3A_568] {strides = array<i32>} : memref<16384xf32, #tpu.memory_space<vmem>>, vector<16xf32>,
        %get3A_570 = vector.shape_cast %get3A_569 : vector<16xf32> to vector<16xf32>
        %mul3A_571 = arith.mulf %exp3A, %get3A_570 : vector<16xf32>
        %add3A_572 = arith.addf %convert_element_type3A_444, %mul3A_571 : vector<16xf32>
        %swap3A_573 = arith.index_cast %multiple_of3A_567 : i32 to index
        %swap3A_574 = tpu.vector_load %arg12[%swap3A_573] {strides = array<i32>} : memref<16384xf32, #tpu.memory_space<vmem>>, vector<16xf32>,
        %swap3A_575 = vector.shape_cast %swap3A_574 : vector<16xf32> to vector<16xf32>
        %swap3A_576 = vector.shape_cast %add3A_572 : vector<16xf32> to vector<16xf32>
        tpu.vector_store %arg12[%swap3A_573], %swap3A_576 {strides = array<i32>} : memref<16384xf32, #tpu.memory_space<vmem>>, vector<16xf32>,
      }
      %scan3A_466 = arith.constant 1024 : i32
      "tpu.region"() ({
        %run_scoped3A = tpu.sem_alloc : memref<!tpu.dma_semaphore, #tpu.memory_space<semaphore_mem>>
        %dma_start3A = tpu.memref_slice %arg7[%multiple_of3A_460] : memref<20971520xf32, #tpu.memory_space<hbm>> -> memref<16384xf32, #tpu.memory_space<hbm>>
        %dma_start3A_467 = tpu.memref_slice %arg7[%multiple_of3A_460] : memref<20971520xf32, #tpu.memory_space<hbm>> -> memref<16384xf32, #tpu.memory_space<hbm>>
        tpu.enqueue_dma source(%arg12 : memref<16384xf32, #tpu.memory_space<vmem>>) target(%dma_start3A_467 : memref<16384xf32, #tpu.memory_space<hbm>>) target_semaphore(%run_scoped3A : memref<!tpu.dma_semaphore, #tpu.memory_space<semaphore_mem>>)
        %dma_wait3A = tpu.memref_slice %arg7[%multiple_of3A_460] : memref<20971520xf32, #tpu.memory_space<hbm>> -> memref<16384xf32, #tpu.memory_space<hbm>>
        %dma_wait3A_468 = tpu.memref_slice %arg7[%multiple_of3A_460] : memref<20971520xf32, #tpu.memory_space<hbm>> -> memref<16384xf32, #tpu.memory_space<hbm>>
        tpu.wait_dma2 semaphore(%run_scoped3A : memref<!tpu.dma_semaphore, #tpu.memory_space<semaphore_mem>>) src(%arg12 : memref<16384xf32, #tpu.memory_space<vmem>>) dst(%dma_wait3A_468 : memref<16384xf32, #tpu.memory_space<hbm>>)
        tpu.yield
      }) : () -> ()
    }
    %scan3A_455 = arith.constant 40 : i32
    return
  }
}

</mosaic_0001>

<sc_bundles>
// kernel: kernel.3.cloned.1.call-start
scs
__scs_entry_jumppad:
0x0: {  	(pc) =	sbr.rel $0x88, $3  }
0x1: {  	(tag) =	ssettag $0x0;
	lr =	simm.s32 $0x1  }
0x2: {  	[smem:$0x3F9C] =	sst lr;
	_ =	strace $0xD0000000  }
0x3: {  	_ = 	snop  }
0x4: {  	_ = 	snop  }
0x5: {  	_ = 	snop  }
0x6: {  	_ = 	snop  }
0x7: {  	_ = 	snop  }
__scs_overlays_trampoline_lowered:
0x8: {  	[smem:$0x3FAB] =	sst s0  }
0x9: {  	[smem:$0x3FAC] =	sst s1  }
0xa: {  	[smem:$0x3FAD] =	sst s2  }
0xb: {  	[smem:$0x3FAE] =	sst s3  }
0xc: {  	[smem:$0x3FAF] =	sst s4  }
0xd: {  	[smem:$0x3FB0] =	sst s5  }
0xe: {  	[smem:$0x3FB1] =	sst s6  }
0xf: {  	[smem:$0x3FB2] =	sst s7  }
0x10: {  	[smem:$0x3FB3] =	sst s8  }
0x11: {  	[smem:$0x3FB4] =	sst s9;
	s0 =	simm.s32 @!p0 $0x0  }
0x12: {  	s1 =	sld [smem:$0x3F9A];
	s0 =	simm.s32 @p0 $0x1  }
0x13: {  	[smem:$0x3FB5] =	sst s0;
	s0 =	simm.s32 @!p1 $0x0  }
0x14: {  	s2 =	sld [smem:$0x3F99];
	s0 =	simm.s32 @p1 $0x1  }
0x15: {  	[smem:$0x3FB6] =	sst s0;
	s0 =	simm.s32 @!p2 $0x0  }
0x16: {  	s3 =	sld [smem:$0x3FDB];
	s0 =	simm.s32 @p2 $0x1  }
0x17: {  	s4 =	simm.s32 $0x1BF5;
	[smem:$0x3FB8] =	sst s0  }
0x18: {  	s0 =	sld [smem:$0x3F9B];
	_ =	swait.ge [sflag:s4], $0x0  }
0x19: {  	s7 =	sld [smem:$0x3F9C]  }
0x1a: {  	s8 =	sadd.s32 $0xFFFFE003, lr  }
0x1b: {  	s9 =	sadd.s32 $0xFFFFFEF7, lr;
	s5 =	simm.s32 $0xFFFFFFFF;
	p2 =	slt.u32 s8, $0xFFFFF086  }
0x1c: {  	p1 =	slt.u32 s9, $0xF7A;
	s5 =	simm.s32 @!p2 $0x0  }
0x1d: {  	s5 =	simm.s32 @p1 $0x1;
	p0 =	seq.s32 s7, s2  }
0x1e: {  	s7 =	smul.u32 @!p0 $0xF7A, s2;
	p2 =	seq.s32 @!p0 s5, $0x0  }
0x1f: {  	s9 =	smul.u32 $0xF7A, s1;
	s8 =	simm.s32 @!p0 $0x1BF5;
	p2 =	por !p2, p0  }
0x20: {  	[sflag:s8] =	ssyncset.s32 @!p0 $0xFFFFF086;
	s6 =	sadd.s32 @!p0 s3, s7;
	s7 =	simm.s32 @!p0 $0x108  }
0x21: {  	s3 =	sadd.s32 s3, s9;
	s6 =	sadd.s32 @!p0 $0x88, s6;
	s7 =	simm.s32 @p2 $0x1082  }
0x22: {  	[simem:s7], [sflag:s8] =	dma.local @!p0 [hbm:s6], $0xF7A  }
0x23: {  	s9 =	sor.u32 $0xD0000000, s2;
	s6 =	simm.s32 $0x108;
	_ =	swait.ge @!p0 [sflag:s8], $0x0  }
0x24: {  	s3 =	sadd.s32 $0x88, s3;
	s6 =	simm.s32 @!p1 $0x1082;
	[sflag:s4] =	ssyncset.s32 $0xFFFFF086  }
0x25: {  	[simem:s6], [sflag:s4] =	dma.local [hbm:s3], $0xF7A  }
0x26: {  	[smem:$0x3F9C] =	sst s1;
	(tag) =	ssettag s2;
	_ =	strace s9  }
0x27: {  	s1 =	sld [smem:$0x3FAC]  }
0x28: {  	s2 =	sld [smem:$0x3FAD]  }
0x29: {  	s4 =	sld [smem:$0x3FAF]  }
0x2a: {  	p0 =	seq.s32 s5, $0x0;
	s5 =	sld [smem:$0x3FB0]  }
0x2b: {  	s6 =	sld [smem:$0x3FB1]  }
0x2c: {  	s7 =	sld [smem:$0x3FB2]  }
0x2d: {  	s3 =	simm.s32 $0x108;
	s8 =	sld [smem:$0x3FB3]  }
0x2e: {  	s3 =	simm.s32 @!p0 $0x1082;
	s9 =	sld [smem:$0x3FB4]  }
0x2f: {  	lr =	sadd.s32 s0, s3;
	s0 =	sld [smem:$0x3FAB]  }
0x30: {  	s3 =	sld [smem:$0x3FAE]  }
0x31: {  	[smem:$0x3FB7] =	sst s10  }
0x32: {  	s10 =	sld [smem:$0x3FB5];
	_ =	sdelay $0x3  }
0x33: {  	p0 =	seq.s32 s10, $0x1;
	s10 =	sld [smem:$0x3FB7];
	_ =	sdelay $0x3  }
0x34: {  	[smem:$0x3FB7] =	sst s10  }
0x35: {  	s10 =	sld [smem:$0x3FB6];
	_ =	sdelay $0x3  }
0x36: {  	p1 =	seq.s32 s10, $0x1;
	s10 =	sld [smem:$0x3FB7];
	_ =	sdelay $0x3  }
0x37: {  	[smem:$0x3FB7] =	sst s10  }
0x38: {  	s10 =	sld [smem:$0x3FB8]  }
0x39: {  	_ = 	snop;
	(pc) =	sbr.ind lr, $3  }
0x3a: {  	_ = 	snop  }
0x3b: {  	_ = 	snop  }
0x3c: {  	p2 =	seq.s32 s10, $0x1;
	s10 =	sld [smem:$0x3FB7]  }
0x3d: {  	_ =	shalt  }
0x3e: {  	_ =	shalt  }
0x3f: {  	_ =	shalt  }
0x40: {  	_ =	shalt  }
0x41: {  	_ =	shalt  }
0x42: {  	_ =	shalt  }
0x43: {  	_ =	shalt  }
0x44: {  	_ =	shalt  }
0x45: {  	_ =	shalt  }
0x46: {  	_ =	shalt  }
0x47: {  	_ =	shalt  }
0x48: {  	_ =	shalt  }
0x49: {  	_ =	shalt  }
0x4a: {  	_ =	shalt  }
0x4b: {  	_ =	shalt  }
0x4c: {  	_ =	shalt  }
0x4d: {  	_ =	shalt  }
0x4e: {  	_ =	shalt  }
0x4f: {  	_ =	shalt  }
0x50: {  	_ =	shalt  }
0x51: {  	_ =	shalt  }
0x52: {  	_ =	shalt  }
0x53: {  	_ =	shalt  }
0x54: {  	_ =	shalt  }
0x55: {  	_ =	shalt  }
0x56: {  	_ =	shalt  }
0x57: {  	_ =	shalt  }
0x58: {  	_ =	shalt  }
0x59: {  	_ =	shalt  }
0x5a: {  	_ =	shalt  }
0x5b: {  	_ =	shalt  }
0x5c: {  	_ =	shalt  }
0x5d: {  	_ =	shalt  }
0x5e: {  	_ =	shalt  }
0x5f: {  	_ =	shalt  }
0x60: {  	_ =	shalt  }
0x61: {  	_ =	shalt  }
0x62: {  	_ =	shalt  }
0x63: {  	_ =	shalt  }
0x64: {  	_ =	shalt  }
0x65: {  	_ =	shalt  }
0x66: {  	_ =	shalt  }
0x67: {  	_ =	shalt  }
0x68: {  	_ =	shalt  }
0x69: {  	_ =	shalt  }
0x6a: {  	_ =	shalt  }
0x6b: {  	_ =	shalt  }
0x6c: {  	_ =	shalt  }
0x6d: {  	_ =	shalt  }
0x6e: {  	_ =	shalt  }
0x6f: {  	_ =	shalt  }
0x70: {  	_ =	shalt  }
0x71: {  	_ =	shalt  }
0x72: {  	_ =	shalt  }
0x73: {  	_ =	shalt  }
0x74: {  	_ =	shalt  }
0x75: {  	_ =	shalt  }
0x76: {  	_ =	shalt  }
0x77: {  	_ =	shalt  }
0x78: {  	_ =	shalt  }
0x79: {  	_ =	shalt  }
0x7a: {  	_ =	shalt  }
0x7b: {  	_ =	shalt  }
0x7c: {  	_ =	shalt  }
0x7d: {  	_ =	shalt  }
0x7e: {  	_ =	shalt  }
0x7f: {  	_ =	shalt  }
0x80: {  	_ =	shalt  }
0x81: {  	_ =	shalt  }
0x82: {  	_ =	shalt  }
0x83: {  	_ =	shalt  }
0x84: {  	_ =	shalt  }
0x85: {  	_ =	shalt  }
0x86: {  	_ =	shalt  }
0x87: {  	_ =	shalt  }
.Lfunc_end0:
.L_simem_size_0:
called_computation.1_lowered:
.L_overlay_start_0:
0x88: {  	s2 =	sld [smem:$0x3FD9]  }
0x89: {  	s3 =	sld [smem:$0x3FFE];
	_ =	sdelay $0x1  }
0x8a: {  	s1 =	srdreg.scid  }
0x8b: {  	s0 =	sand.u32 $0x1, s1  }
0x8c: {  	s17 =	sshll.u32 s0, $0xA;
	s2 =	sadd.s32 s3, s2  }
0x8d: {  	s2 =	sadd.s32 s2, s17  }
0x8e: {  	[smem:$0x3FC3] =	sst s2  }
0x8f: {  	_ = 	snop  }
0x90: {  	s2 =	sld [smem:$0x3FD0];
	(tm) =	ssettm $0x1  }
0x91: {  	s18 =	sld [smem:$0x3FFB];
	_ =	sdelay $0x3  }
0x92: {  	_ =	strace s18  }
0x93: {  	s3 =	sld [smem:$0x3FFC];
	_ =	sdelay $0x3  }
0x94: {  	_ =	strace s3  }
0x95: {  	s3 =	sld [smem:$0x3FFD];
	_ =	sdelay $0x3  }
0x96: {  	_ =	strace s3  }
0x97: {  	_ =	strace $0x8FFFFFFF  }
0x98: {  	s19 =	sld [smem:$0x3FDB];
	_ =	sdelay $0x1  }
0x99: {  	s4 =	simm.s32 $_scs_section_size  }
0x9a: {  	s5 =	simm.s32 $_size__tile_overlayer_lowered;
	s6 =	simm.s32 $_tile_overlayer_lowered  }
0x9b: {  	s22 =	simm.s32 $0x1BFF;
	s21 =	sshll.u32 s6, $0x1;
	s3 =	sadd.s32 s4, s19  }
0x9c: {  	s7 =	simm.s32 $0x0;
	s20 =	sshll.u32 s5, $0x1;
	s5 =	sadd.s32 s21, s3  }
0x9d: {  	[timem:s7], [sflag:s22] =	dma.local [hbm:s5], s20  }
0x9e: {  	_ =	swait.ge [sflag:s22], s20  }
0x9f: {  	s4 =	ssub.s32 $0x0, s20;
	[sflag:s22] =	ssyncset.done $0x0  }
0xa0: {  	[sflag:s22] =	ssyncadd.s32 s4;
	_ =	sdelay $0x1  }
0xa1: {  	s23 =	simm.s32 $0x1B8B  }
0xa2: {  	_ =	swait.ge [sflag:s23], $0x1  }
0xa3: {  	[sflag:s23] =	ssyncset.done $0x0  }
0xa4: {  	s25 =	simm.s32 $0x1B8E;
	s24 =	sld [smem:$0x3FFE];
	[sflag:s23] =	ssyncadd.s32 $0xFFFFFFFF  }
0xa5: {  	s26 =	simm.s32 $execute0_lowered;
	[smem:$0x3FD2] =	sst s25  }
0xa6: {  	s5 =	sshll.u32 s26, $0x1;
	_ =	strace $0x80000046;
	[dreg:$0x1] =	wrdreg $0xFFFFFFFF  }
0xa7: {  	s28 =	simm.s32 $_size_execute0_lowered;
	s3 =	sadd.s32 s3, s5;
	[dreg:$0x0] =	wrdreg $0x0  }
0xa8: {  	s5 =	sshll.u32 s28, $0x1;
	[dreg:$0x2] =	wrdreg s3  }
0xa9: {  	[dreg:$0x3] =	wrdreg s5  }
0xaa: {  	[dreg:$0x4] =	wrdreg $0xC0  }
0xab: {  	_ =	task [dreg:s7], $0x5FFFF  }
0xac: {  	[dreg:$0x1] =	wrdreg $0xFFFFFFFF  }
0xad: {  	[dreg:$0x0] =	wrdreg $0x60  }
0xae: {  	[dreg:$0x2] =	wrdreg s24  }
0xaf: {  	[dreg:$0x3] =	wrdreg s2  }
0xb0: {  	[dreg:$0x4] =	wrdreg $0x9  }
0xb1: {  	_ =	task.clear_ibuf [dreg:s7], $0x5FFFF;
	_ =	strace $0x90000046  }
0xb2: {  	s29 =	simm.s32 $0x9;
	_ =	strace $0x80000048  }
0xb3: {  	_ =	swait.ge [sflag:s29], $0x1  }
0xb4: {  	[sflag:s29] =	ssyncadd.s32 $0xFFFFFFFF  }
0xb5: {  	_ =	strace $0x90000048  }
0xb6: {  	_ =	sfence  }
0xb7: {  	s30 =	sld [smem:$0x0];
	_ =	sdelay $0x2  }
0xb8: {  	s31 =	sshll.u32 s1, $0xD;
	s1 =	sshrl.u32 s1, $0x2  }
0xb9: {  	s3 =	sand.u32 $0x4000, s31;
	s1 =	sadd.s32 s1, s30  }
0xba: {  	s0 =	sor.u32 s3, s0;
	s1 =	sshll.u32 s1, $0x11  }
0xbb: {  	s0 =	sor.u32 s1, s0  }
0xbc: {  	s0 =	sadd.s32 $0x8F2B, s0  }
0xbd: {  	[sflag:s0] =	ssyncadd.remote.s32 $0x1  }
0xbe: {  	_ =	sfence.sel $0xFFFF  }
0xbf: {  	[dreg:$0x0] =	wrdreg $0xFFFFFFFF;
	(pc) =	sbr.abs _section_cstart, $3  }
0xc0: {  	[dreg:$0x1] =	wrdreg $0xFFFFFFFF  }
0xc1: {  	_ =	task.clear_ibuf [dreg:s7], $0x2FFFF;
	_ =	strace $0x9FFFFFFF  }
0xc2: {  	(tm) =	ssettm $0x7FFFFFFF  }
0xc3: {  	_ =	shalt  }
tec
execute0_lowered:
.L_overlay_start_1:
0x0: {  	(tag) =	ssettag $0x1  }
0x1: {  	v0 =	vimm.s32 $0xFEDCBA98;
	v1 =	vimm.s32 $0x76543210  }
0x2: {  	v2 =	vimm.s32 $0xBA98FEDC;
	v3 =	vimm.s32 $0x32107654;
	v4 =	vimm.s32 $0xDCFE98BA  }
0x3: {  	s8 =	rddreg [dreg:$0x0];
	v5 =	vimm.s32 $0x54761032;
	v6 =	vimm.s32 $0xEFCDAB89;
	v7 =	vimm.s32 $0x67452301  }
0x4: {  	s0 =	rddreg [dreg:$0x1];
	s1 =	simm.s32 $0x0;
	v0 =	vunpack.c.l.s4.s8 v0;
	v1 =	vunpack.c.l.s4.s8 v1;
	v2 =	vunpack.c.l.s4.s8 v2  }
0x5: {  	s2 =	rddreg [dreg:$0x2];
	s4 =	srdreg.scid;
	s13 =	simm.s32 $0x100;
	v3 =	vunpack.c.l.s4.s8 v3;
	v4 =	vunpack.c.l.s4.s8 v4;
	v5 =	vunpack.c.l.s4.s8 v5  }
0x6: {  	s14 =	simm.s32 $0x180;
	s15 =	simm.s32 $0x200;
	s16 =	simm.s32 $0x0;
	v6 =	vunpack.c.l.s4.s8 v6;
	v7 =	vunpack.c.l.s4.s8 v7;
	v0 =	vunpack.c.0.s8.s32 v0  }
0x7: {  	[smem:$0x7FF] =	sst s1;
	s3 =	sadd.s32 $0x800, s8;
	s9 =	sand.u32 $0x1, s4;
	v2 =	vunpack.c.0.s8.s32 v2;
	v3 =	vunpack.c.0.s8.s32 v3;
	v4 =	vunpack.c.0.s8.s32 v4  }
0x8: {  	s5 =	sadd.s32 $0xA00, s8;
	s4 =	stileid.u32;
	s6 =	sadd.s32 $0xC00, s8;
	v5 =	vunpack.c.0.s8.s32 v5;
	v6 =	vunpack.c.0.s8.s32 v6;
	v7 =	vunpack.c.0.s8.s32 v7  }
0x9: {  	s7 =	sadd.s32 $0xE00, s8;
	s8 =	sadd.s32 $0x1000, s8;
	s10 =	ssub.s32 $0x2, s9;
	v1 =	vunpack.c.0.s8.s32 v1;
	v2 =	vcombine.low v3, v2  }
0xa: {  	_ =	strace $0x80000047;
	s12 =	sshll.u32 s4, $0x1;
	s11 =	sshrl.u32 s10, $0x1;
	v3 =	vcombine.low v5, v4;
	v4 =	vcombine.low v7, v6;
	v0 =	vand.u32 $0xF, v0  }
0xb: {  	s9 =	sor.u32 s9, s12;
	s12 =	simm.s32 $0x80;
	s10 =	ssub.s32 s10, s11;
	v0 =	vcombine.low v0, v1;
	v1 =	vand.u32 $0xF, v2  }
0xc: {  	s9 =	smul.u32 $0xA0000, s9;
	s11 =	simm.s32 $0x1;
	s10 =	smax.u32 s10, $0x1;
	v2 =	vand.u32 $0xF, v3;
	v3 =	vand.u32 $0xF, v4;
	v4 =	vlaneseq.u32  }
.LBB2_1:
0xd: {  	[tilespmem:s1], [sflag:$0x1] =	stream.linear.gather [hbm4b:s3+s1], $0x80, $0x38;
	[tilespmem:$0x4200] =	vst v63  }
0xe: {  	_ =	swait.ge [sflag:s11], $0x80  }
0xf: {  	[sflag:s11] =	ssyncset.done $0x0  }
0x10: {  	[sflag:s11] =	ssyncadd.s32 $0xFFFFFF80  }
0x11: {  	[tilespmem:s12], [sflag:$0x1] =	stream.linear.gather [hbm4b:s5+s1], $0x80, $0x38;
	[tilespmem:$0x4200] =	vst v63  }
0x12: {  	_ =	swait.ge [sflag:s11], $0x80  }
0x13: {  	[sflag:s11] =	ssyncset.done $0x0  }
0x14: {  	[sflag:s11] =	ssyncadd.s32 $0xFFFFFF80  }
0x15: {  	[tilespmem:s13], [sflag:$0x1] =	stream.linear.gather [hbm4b:s6+s1], $0x80, $0x38;
	[tilespmem:$0x4200] =	vst v63  }
0x16: {  	_ =	swait.ge [sflag:s11], $0x80  }
0x17: {  	[sflag:s11] =	ssyncset.done $0x0  }
0x18: {  	[sflag:s11] =	ssyncadd.s32 $0xFFFFFF80  }
0x19: {  	[tilespmem:s14], [sflag:$0x1] =	stream.linear.gather [hbm4b:s7+s1], $0x80, $0x38;
	[tilespmem:$0x4200] =	vst v63  }
0x1a: {  	_ =	swait.ge [sflag:s11], $0x80  }
0x1b: {  	[sflag:s11] =	ssyncset.done $0x0  }
0x1c: {  	[sflag:s11] =	ssyncadd.s32 $0xFFFFFF80  }
0x1d: {  	v5 =	vld [tilespmem:$0x100];
	_ =	sdelay $0x4  }
0x1e: {  	v5 =	vadd.s32 $0xC0CAFB0D, v5  }
0x1f: {  	v6 =	vand.u32 $0x7FFFFF, v5  }
0x20: {  	v6 =	vadd.s32 $0x3F3504F3, v6  }
0x21: {  	v7 =	vadd.f32 $1.000000000e+00, v6;
	_ =	sdelay $0x1  }
0x22: {  	(erf) = vrcp.f32 v7;
	_ =	sdelay $0x7  }
0x23: {  	v6 =	vadd.f32 $-1.000000000e+00, v6  }
0x24: {  	v7 =	vpop (erf)  }
0x25: {  	v6 =	vmul.f32 v7, v6;
	_ =	sdelay $0x1  }
0x26: {  	v7 =	vmul.f32 v6, v6;
	_ =	sdelay $0x1  }
0x27: {  	v8 =	vmul.f32 $1.818181870e-01, v7;
	_ =	sdelay $0x1  }
0x28: {  	v8 =	vadd.f32 $2.222222240e-01, v8;
	_ =	sdelay $0x1  }
0x29: {  	v8 =	vmul.f32 v8, v7;
	_ =	sdelay $0x1  }
0x2a: {  	v8 =	vadd.f32 $2.857142980e-01, v8;
	_ =	sdelay $0x1  }
0x2b: {  	v8 =	vmul.f32 v8, v7;
	_ =	sdelay $0x1  }
0x2c: {  	v8 =	vadd.f32 $4.000000060e-01, v8;
	_ =	sdelay $0x1  }
0x2d: {  	v8 =	vmul.f32 v8, v7;
	_ =	sdelay $0x1  }
0x2e: {  	v8 =	vadd.f32 $6.666666860e-01, v8;
	_ =	sdelay $0x1  }
0x2f: {  	v7 =	vmul.f32 v8, v7  }
0x30: {  	v5 =	vshra.s32 v5, $0x17  }
0x31: {  	v5 =	vcvt.s32.f32 v5;
	v7 =	vadd.f32 $2.000000000e+00, v7;
	_ =	sdelay $0x1  }
0x32: {  	v5 =	vmul.f32 $6.931471820e-01, v5;
	v6 =	vmul.f32 v7, v6;
	_ =	sdelay $0x1  }
0x33: {  	v5 =	vadd.f32 v6, v5;
	v6 =	vld [tilespmem:$0x180];
	_ =	sdelay $0x1  }
0x34: {  	v5 =	vsub.f32 $0.0e+00, v5;
	_ =	sdelay $0x1  }
0x35: {  	v5 =	vadd.s32 $0xC0CAFB0D, v5  }
0x36: {  	v7 =	vand.u32 $0x7FFFFF, v5;
	v6 =	vadd.s32 $0xC0CAFB0D, v6  }
0x37: {  	v7 =	vadd.s32 $0x3F3504F3, v7;
	v8 =	vand.u32 $0x7FFFFF, v6  }
0x38: {  	v9 =	vadd.f32 $1.000000000e+00, v7;
	v8 =	vadd.s32 $0x3F3504F3, v8  }
0x39: {  	v10 =	vadd.f32 $1.000000000e+00, v8  }
0x3a: {  	(erf) = vrcp.f32 v9  }
0x3b: {  	(erf) = vrcp.f32 v10;
	_ =	sdelay $0x7  }
0x3c: {  	v8 =	vadd.f32 $-1.000000000e+00, v8;
	v9 =	vpop (erf)  }
0x3d: {  	v10 =	vpop (erf)  }
0x3e: {  	v8 =	vmul.f32 v10, v8;
	_ =	sdelay $0x1  }
0x3f: {  	v10 =	vmul.f32 v8, v8;
	_ =	sdelay $0x1  }
0x40: {  	v11 =	vmul.f32 $1.818181870e-01, v10;
	_ =	sdelay $0x1  }
0x41: {  	v11 =	vadd.f32 $2.222222240e-01, v11;
	_ =	sdelay $0x1  }
0x42: {  	v11 =	vmul.f32 v11, v10;
	_ =	sdelay $0x1  }
0x43: {  	v11 =	vadd.f32 $2.857142980e-01, v11;
	_ =	sdelay $0x1  }
0x44: {  	v11 =	vmul.f32 v11, v10;
	_ =	sdelay $0x1  }
0x45: {  	v11 =	vadd.f32 $4.000000060e-01, v11;
	_ =	sdelay $0x1  }
0x46: {  	v11 =	vmul.f32 v11, v10;
	_ =	sdelay $0x1  }
0x47: {  	v11 =	vadd.f32 $6.666666860e-01, v11;
	_ =	sdelay $0x1  }
0x48: {  	v10 =	vmul.f32 v11, v10  }
0x49: {  	v6 =	vshra.s32 v6, $0x17  }
0x4a: {  	v6 =	vcvt.s32.f32 v6;
	v10 =	vadd.f32 $2.000000000e+00, v10;
	_ =	sdelay $0x1  }
0x4b: {  	v6 =	vmul.f32 $6.931471820e-01, v6;
	v8 =	vmul.f32 v10, v8;
	_ =	sdelay $0x1  }
0x4c: {  	v6 =	vadd.f32 v8, v6;
	_ =	sdelay $0x1  }
0x4d: {  	v6 =	vsub.f32 $0.0e+00, v6;
	_ =	sdelay $0x1  }
0x4e: {  	v6 =	vadd.s32 $0xC0CAFB0D, v6  }
0x4f: {  	v8 =	vand.u32 $0x7FFFFF, v6  }
0x50: {  	v8 =	vadd.s32 $0x3F3504F3, v8  }
0x51: {  	v52 =	vadd.f32 $1.000000000e+00, v8;
	_ =	sdelay $0x1  }
0x52: {  	(erf) = vrcp.f32 v52;
	_ =	sdelay $0x7  }
0x53: {  	v8 =	vadd.f32 $-1.000000000e+00, v8  }
0x54: {  	v10 =	vpop (erf)  }
0x55: {  	v8 =	vmul.f32 v10, v8;
	_ =	sdelay $0x1  }
0x56: {  	v10 =	vmul.f32 v8, v8;
	_ =	sdelay $0x1  }
0x57: {  	v53 =	vmul.f32 $1.818181870e-01, v10;
	_ =	sdelay $0x1  }
0x58: {  	v11 =	vadd.f32 $2.222222240e-01, v53;
	_ =	sdelay $0x1  }
0x59: {  	v11 =	vmul.f32 v11, v10;
	_ =	sdelay $0x1  }
0x5a: {  	v7 =	vadd.f32 $-1.000000000e+00, v7;
	v11 =	vadd.f32 $2.857142980e-01, v11;
	_ =	sdelay $0x1  }
0x5b: {  	v7 =	vmul.f32 v9, v7;
	v11 =	vmul.f32 v11, v10;
	_ =	sdelay $0x1  }
0x5c: {  	v55 =	vmul.f32 v7, v7;
	v54 =	vadd.f32 $4.000000060e-01, v11;
	_ =	sdelay $0x1  }
0x5d: {  	v12 =	vmul.f32 $1.818181870e-01, v55;
	v9 =	vmul.f32 v54, v10;
	_ =	sdelay $0x1  }
0x5e: {  	v12 =	vadd.f32 $2.222222240e-01, v12;
	v9 =	vadd.f32 $6.666666860e-01, v9;
	_ =	sdelay $0x1  }
0x5f: {  	v56 =	vmul.f32 v12, v55;
	v6 =	vshra.s32 v6, $0x17;
	v9 =	vmul.f32 v9, v10  }
0x60: {  	v6 =	vcvt.s32.f32 v6  }
0x61: {  	v10 =	vadd.f32 $2.857142980e-01, v56;
	v9 =	vadd.f32 $2.000000000e+00, v9  }
0x62: {  	v6 =	vmul.f32 $6.931471820e-01, v6  }
0x63: {  	v57 =	vmul.f32 v10, v55;
	v8 =	vmul.f32 v9, v8  }
0x64: {  	v58 =	vld [tilespmem:$0x80]  }
0x65: {  	v6 =	vadd.f32 v8, v6;
	v8 =	vadd.f32 $4.000000060e-01, v57;
	_ =	sdelay $0x1  }
0x66: {  	v6 =	vsub.f32 $0.0e+00, v6;
	v8 =	vmul.f32 v8, v55;
	_ =	sdelay $0x1  }
0x67: {  	v6 =	vadd.f32 v6, v58;
	v8 =	vadd.f32 $6.666666860e-01, v8;
	_ =	sdelay $0x1  }
0x68: {  	v59 =	vperm.xlane v6, v0;
	v8 =	vmul.f32 v8, v55  }
0x69: {  	v5 =	vshra.s32 v5, $0x17  }
0x6a: {  	v5 =	vcvt.s32.f32 v5;
	v9 =	vmax.f32 v6, v59;
	v8 =	vadd.f32 $2.000000000e+00, v8  }
0x6b: {  	v60 =	vperm.xlane v9, v1  }
0x6c: {  	v5 =	vmul.f32 $6.931471820e-01, v5;
	v7 =	vmul.f32 v8, v7  }
0x6d: {  	v61 =	vld [tilespmem:$0x0];
	v8 =	vmax.f32 v9, v60  }
0x6e: {  	v10 =	vperm.xlane v8, v2;
	v5 =	vadd.f32 v7, v5;
	_ =	sdelay $0x1  }
0x6f: {  	v7 =	vmax.f32 v8, v10;
	v5 =	vsub.f32 $0.0e+00, v5  }
0x70: {  	v8 =	vperm.xlane v7, v3  }
0x71: {  	v5 =	vadd.f32 v5, v61  }
0x72: {  	v7 =	vmax.f32 v7, v8  }
0x73: {  	vm0 =	veq.f32 v6, v7;
	v6 =	vperm.xlane v5, v0  }
0x74: {  	v7 =	vnsel vm0, $0x10, v4  }
0x75: {  	v8 =	vperm.xlane v7, v0;
	v6 =	vmax.f32 v5, v6  }
0x76: {  	v62 =	vperm.xlane v6, v1  }
0x77: {  	vm0 =	vlt.s32 v7, v8  }
0x78: {  	v7 =	vsel vm0, v7, v8;
	v6 =	vmax.f32 v6, v62  }
0x79: {  	v8 =	vperm.xlane v7, v1;
	v9 =	vperm.xlane v6, v2;
	_ =	sdelay $0x1  }
0x7a: {  	vm0 =	vlt.s32 v7, v8;
	v6 =	vmax.f32 v6, v9  }
0x7b: {  	v7 =	vsel vm0, v7, v8;
	v8 =	vperm.xlane v6, v3  }
0x7c: {  	v63 =	vperm.xlane v7, v2  }
0x7d: {  	v6 =	vmax.f32 v6, v8  }
0x7e: {  	vm0 =	vlt.s32 v7, v63;
	vm13 =	veq.f32 v5, v6  }
0x7f: {  	v7 =	vsel vm0, v7, v63;
	v5 =	vnsel vm13, $0x10, v4  }
0x80: {  	v6 =	vperm.xlane v7, v3;
	v8 =	vperm.xlane v5, v0;
	_ =	sdelay $0x1  }
0x81: {  	vm14 =	vlt.s32 v7, v6;
	vm15 =	vlt.s32 v5, v8  }
0x82: {  	v6 =	vsel vm14, v7, v6;
	v5 =	vsel vm15, v5, v8  }
0x83: {  	v6 =	vcvt.s32.f32 v6;
	v7 =	vperm.xlane v5, v1;
	_ =	sdelay $0x1  }
0x84: {  	v6 =	vmul.f32 $1.442695020e+00, v6;
	vm0 =	vlt.s32 v5, v7  }
0x85: {  	v5 =	vsel vm0, v5, v7  }
0x86: {  	(erf) = vpow2.f32 v6;
	v6 =	vperm.xlane v5, v2;
	_ =	sdelay $0x1  }
0x87: {  	vm0 =	vlt.s32 v5, v6  }
0x88: {  	v5 =	vsel vm0, v5, v6  }
0x89: {  	v6 =	vperm.xlane v5, v3;
	_ =	sdelay $0x1  }
0x8a: {  	vm0 =	vlt.s32 v5, v6  }
0x8b: {  	v5 =	vsel vm0, v5, v6  }
0x8c: {  	v5 =	vcvt.s32.f32 v5  }
0x8d: {  	s17 =	simm.s32 $0x0;
	v6 =	vpop (erf)  }
.LBB2_2:
0x8e: {  	s18 =	sshll.u32 s17, $0xE  }
0x8f: {  	s18 =	sadd.s32 s9, s18  }
0x90: {  	s18 =	sshrl.u32 s18, $0x3  }
0x91: {  	s19 =	sadd.s32 s0, s18  }
0x92: {  	[tilespmem:s15], [sflag:$0x1] =	stream.linear.gather [hbm4b:s19+s1], $0x4000, $0x38;
	[tilespmem:$0x4200] =	vst v63  }
0x93: {  	_ =	swait.ge [sflag:s11], $0x4000  }
0x94: {  	[sflag:s11] =	ssyncset.done $0x0  }
0x95: {  	s19 =	simm.s32 $0x240;
	[sflag:s11] =	ssyncadd.s32 $0xFFFFC000  }
0x96: {  	v7 =	vld [tilespmem:s19+$0xFFFFFFC0]  }
0x97: {  	v8 =	vld [tilespmem:s19+$0xFFFFFFD0];
	_ =	sdelay $0x2  }
0x98: {  	v9 =	vld [tilespmem:s19+$0xFFFFFFE0]  }
0x99: {  	v11 =	vld [tilespmem:s19+$0x0]  }
0x9a: {  	v12 =	vld [tilespmem:s19+$0x10];
	v10 =	vmul.f32 v7, v6;
	v8 =	vmul.f32 v8, v6  }
0x9b: {  	v7 =	vld [tilespmem:s19+$0x20]  }
0x9c: {  	v14 =	vadd.f32 v5, v10;
	v10 =	vadd.f32 v5, v8;
	v8 =	vld [tilespmem:s19+$0x30]  }
0x9d: {  	v15 =	vmul.f32 v9, v6;
	v9 =	vld [tilespmem:s19+$0xFFFFFFF0]  }
0x9e: {  	v13 =	vmul.f32 v11, v6  }
0x9f: {  	s20 =	simm.s32 $0x0;
	s21 =	simm.s32 $0x2C0;
	v12 =	vmul.f32 v12, v6;
	v11 =	vadd.f32 v5, v15;
	[tilespmem:s19+$0xFFFFFFC0] =	vst v14  }
.LBB2_3:
0xa0: {  	v14 =	vld [tilespmem:s21+$0xFFFFFFC0];
	[tilespmem:s19+$0xFFFFFFD0] =	vst v10;
	v10 =	vadd.f32 v5, v13;
	v7 =	vmul.f32 v7, v6  }
0xa1: {  	v13 =	vld [tilespmem:s21+$0xFFFFFFD0];
	[tilespmem:s19+$0xFFFFFFE0] =	vst v11;
	v11 =	vadd.f32 v5, v12;
	v8 =	vmul.f32 v8, v6  }
0xa2: {  	v12 =	vld [tilespmem:s21+$0xFFFFFFE0];
	v9 =	vmul.f32 v9, v6;
	[tilespmem:s19+$0x0] =	vst v10;
	v7 =	vadd.f32 v5, v7  }
0xa3: {  	s20 =	sadd.s32 $0x8, s20;
	v15 =	vld [tilespmem:s21+$0x0];
	[tilespmem:s19+$0x10] =	vst v11;
	v8 =	vadd.f32 v5, v8  }
0xa4: {  	p0 =	slt.u32 s20, $0x3F8;
	v16 =	vld [tilespmem:s21+$0x10];
	v9 =	vadd.f32 v5, v9;
	[tilespmem:s19+$0x20] =	vst v7  }
.Ltmp0:
0xa5: {  	v10 =	vmul.f32 v14, v6;
	v7 =	vld [tilespmem:s21+$0x20];
	[tilespmem:s19+$0x30] =	vst v8;
	(pc) =	sbr.rel @p0 .LBB2_3-.Ltmp0, $4  }
0xa6: {  	v11 =	vmul.f32 v13, v6;
	v8 =	vld [tilespmem:s21+$0x30];
	[tilespmem:s19+$0xFFFFFFF0] =	vst v9;
	s19 =	smov.u32 s21  }
0xa7: {  	v14 =	vadd.f32 v5, v10;
	v12 =	vmul.f32 v12, v6;
	v9 =	vld [tilespmem:s21+$0xFFFFFFF0]  }
0xa8: {  	v10 =	vadd.f32 v5, v11;
	v13 =	vmul.f32 v15, v6  }
0xa9: {  	s21 =	sadd.s32 $0x80, s21;
	[tilespmem:s19+$0xFFFFFFC0] =	vst v14;
	v11 =	vadd.f32 v5, v12;
	v12 =	vmul.f32 v16, v6  }
0xaa: {  	[tilespmem:s19+$0xFFFFFFD0] =	vst v10;
	v62 =	vadd.f32 v5, v13;
	v7 =	vmul.f32 v7, v6  }
0xab: {  	[tilespmem:s19+$0xFFFFFFE0] =	vst v11;
	v63 =	vadd.f32 v5, v12;
	v8 =	vmul.f32 v8, v6  }
0xac: {  	v9 =	vmul.f32 v9, v6;
	[tilespmem:s19+$0x0] =	vst v62;
	v7 =	vadd.f32 v5, v7  }
0xad: {  	[tilespmem:s19+$0x10] =	vst v63;
	v8 =	vadd.f32 v5, v8  }
0xae: {  	s17 =	sadd.s32 $0x1, s17;
	v9 =	vadd.f32 v5, v9;
	[tilespmem:s19+$0x20] =	vst v7  }
0xaf: {  	p0 =	sne.s32 s17, $0x28;
	[tilespmem:s19+$0x30] =	vst v8  }
.Ltmp1:
0xb0: {  	s18 =	sadd.s32 s8, s18;
	[tilespmem:s19+$0xFFFFFFF0] =	vst v9;
	(pc) =	sbr.rel @p0 .LBB2_2-.Ltmp1, $4  }
0xb1: {  	[hbm4b:s18+s1] =	stream.linear.scatter [tilespmem:s15], [sflag:$0x1], $0x4000, $0x38;
	[tilespmem:$0x4200] =	vst v63  }
0xb2: {  	_ =	swait.ge [sflag:s11], $0x4000  }
0xb3: {  	[sflag:s11] =	ssyncset.done $0x0  }
0xb4: {  	[sflag:s11] =	ssyncadd.s32 $0xFFFFC000  }
0xb5: {  	s16 =	sadd.s32 $0x1, s16  }
0xb6: {  	p0 =	sne.s32 s16, s10  }
.Ltmp2:
0xb7: {  	_ = 	snop;
	(pc) =	sbr.rel @p0 .LBB2_1-.Ltmp2, $1  }
0xb8: {  	_ =	sdelay $0x3  }
0xb9: {  	_ =	sfence.sel $0x180000  }
0xba: {  	[bflag:$0x0] =	sbarrier.arrive $0xFFFF  }
0xbb: {  	p0 =	sne.s32 s4, $0x0;
	_ =	strace $0x90000047  }
0xbc: {  	s0 =	sadd.s32 @!p0 $0x100000, s2;
	[bflag:$0x2] =	sbarrier.arrive $0xFFFF  }
0xbd: {  	[sflag:s0] =	ssyncadd.tile.s32 @!p0 $0x1;
	_ =	shalt  }
.Lfunc_end2:
_tile_overlayer_lowered:
.L_overlay_start_2:
0xbe: {  	(tag) =	ssettag $0x2  }
0xbf: {  	s0 =	rddreg [dreg:$0x0];
	s2 =	stileid.u32  }
0xc0: {  	s1 =	rddreg [dreg:$0x1];
	p0 =	sne.s32 s2, $0x0  }
0xc1: {  	s3 =	rddreg [dreg:$0x2];
	[bflag:$0x3] =	sbarrier.arrive $0xFFFF;
	s2 =	simm.s32 @!p0 $0x1C01  }
0xc2: {  	[timem:s3], [sflag:s2] =	dma.local @!p0 [hbm:s0], s1  }
0xc3: {  	s0 =	simm.s32 @!p0 $0x1  }
0xc4: {  	_ =	swait.ge @!p0 [sflag:s0], s1  }
0xc5: {  	s1 =	ssub.s32 @!p0 $0x0, s1;
	[sflag:s0] =	ssyncset.done @!p0 $0x0  }
0xc6: {  	[sflag:s0] =	ssyncadd.s32 @!p0 s1  }
0xc7: {  	[bflag:$0x3] =	sbarrier.arrive $0xFFFF  }
0xc8: {  	_ =	shalt  }

// kernel: sparse-core-data-format-call.cloned.1.call-start
scs
called_computation_lowered:
.L_overlay_start_0:
0x0: {  	s2 =	sld [smem:$0x3FD9]  }
0x1: {  	s3 =	sld [smem:$0x3FFE];
	_ =	sdelay $0x1  }
0x2: {  	s1 =	srdreg.scid  }
0x3: {  	s0 =	sand.u32 $0x1, s1  }
0x4: {  	s18 =	sshll.u32 s0, $0xA;
	s2 =	sadd.s32 s3, s2  }
0x5: {  	s2 =	sadd.s32 s2, s18  }
0x6: {  	[smem:$0x3FC3] =	sst s2  }
0x7: {  	_ = 	snop  }
0x8: {  	s2 =	sld [smem:$0x3FD0];
	(tm) =	ssettm $0x1  }
0x9: {  	s19 =	sld [smem:$0x3FFB];
	_ =	sdelay $0x3  }
0xa: {  	_ =	strace s19  }
0xb: {  	s3 =	sld [smem:$0x3FFC];
	_ =	sdelay $0x3  }
0xc: {  	_ =	strace s3  }
0xd: {  	s3 =	sld [smem:$0x3FFD];
	_ =	sdelay $0x3  }
0xe: {  	_ =	strace s3  }
0xf: {  	_ =	strace $0x8FFFFFFF  }
0x10: {  	s20 =	sld [smem:$0x3FDB];
	_ =	sdelay $0x1  }
0x11: {  	s4 =	simm.s32 $_scs_section_size  }
0x12: {  	s5 =	simm.s32 $_size__tile_overlayer_lowered;
	s6 =	simm.s32 $_tile_overlayer_lowered  }
0x13: {  	s23 =	simm.s32 $0x1BFF;
	s22 =	sshll.u32 s6, $0x1;
	s3 =	sadd.s32 s4, s20  }
0x14: {  	s7 =	simm.s32 $0x0;
	s21 =	sshll.u32 s5, $0x1;
	s5 =	sadd.s32 s22, s3  }
0x15: {  	[timem:s7], [sflag:s23] =	dma.local [hbm:s5], s21  }
0x16: {  	_ =	swait.ge [sflag:s23], s21  }
0x17: {  	s4 =	ssub.s32 $0x0, s21;
	[sflag:s23] =	ssyncset.done $0x0  }
0x18: {  	[sflag:s23] =	ssyncadd.s32 s4;
	_ =	sdelay $0x1  }
0x19: {  	s24 =	simm.s32 $0x1B8B  }
0x1a: {  	_ =	swait.ge [sflag:s24], $0x1  }
0x1b: {  	[sflag:s24] =	ssyncset.done $0x0  }
0x1c: {  	s26 =	simm.s32 $0x1B8E;
	s25 =	sld [smem:$0x3FFE];
	[sflag:s24] =	ssyncadd.s32 $0xFFFFFFFF  }
0x1d: {  	s27 =	simm.s32 $execute0_lowered;
	[smem:$0x3FD2] =	sst s26  }
0x1e: {  	s5 =	sshll.u32 s27, $0x1;
	_ =	strace $0x80000049;
	[dreg:$0x1] =	wrdreg $0xFFFFFFFF  }
0x1f: {  	s28 =	simm.s32 $_size_execute0_lowered;
	s3 =	sadd.s32 s3, s5;
	[dreg:$0x0] =	wrdreg $0x0  }
0x20: {  	s5 =	sshll.u32 s28, $0x1;
	[dreg:$0x2] =	wrdreg s3  }
0x21: {  	[dreg:$0x3] =	wrdreg s5  }
0x22: {  	[dreg:$0x4] =	wrdreg $0xC0  }
0x23: {  	_ =	task [dreg:s7], $0x5FFFF  }
0x24: {  	[dreg:$0x1] =	wrdreg $0xFFFFFFFF  }
0x25: {  	[dreg:$0x0] =	wrdreg $0x60  }
0x26: {  	[dreg:$0x2] =	wrdreg s25  }
0x27: {  	[dreg:$0x3] =	wrdreg s2  }
0x28: {  	[dreg:$0x4] =	wrdreg $0x9  }
0x29: {  	_ =	task.clear_ibuf [dreg:s7], $0x5FFFF;
	_ =	strace $0x90000049  }
0x2a: {  	s29 =	simm.s32 $0x9;
	_ =	strace $0x8000004B  }
0x2b: {  	_ =	swait.ge [sflag:s29], $0x1  }
0x2c: {  	[sflag:s29] =	ssyncadd.s32 $0xFFFFFFFF  }
0x2d: {  	_ =	strace $0x9000004B  }
0x2e: {  	_ =	sfence  }
0x2f: {  	s30 =	sld [smem:$0x0];
	_ =	sdelay $0x2  }
0x30: {  	s31 =	sshll.u32 s1, $0xD;
	s1 =	sshrl.u32 s1, $0x2  }
0x31: {  	s3 =	sand.u32 $0x4000, s31;
	s1 =	sadd.s32 s1, s30  }
0x32: {  	s0 =	sor.u32 s3, s0;
	s1 =	sshll.u32 s1, $0x11  }
0x33: {  	s0 =	sor.u32 s1, s0  }
0x34: {  	s0 =	sadd.s32 $0x8F2B, s0  }
0x35: {  	[sflag:s0] =	ssyncadd.remote.s32 $0x1  }
0x36: {  	_ =	sfence.sel $0xFFFF  }
0x37: {  	[dreg:$0x0] =	wrdreg $0xFFFFFFFF;
	(pc) =	sbr.abs _section_cstart, $3  }
0x38: {  	[dreg:$0x1] =	wrdreg $0xFFFFFFFF  }
0x39: {  	_ =	task.clear_ibuf [dreg:s7], $0x2FFFF;
	_ =	strace $0x9FFFFFFF  }
0x3a: {  	(tm) =	ssettm $0x7FFFFFFF  }
0x3b: {  	_ =	shalt  }
tec
execute0_lowered:
.L_overlay_start_1:
0x0: {  	(tag) =	ssettag $0x1  }
0x1: {  	s0 =	srdreg.scid  }
0x2: {  	s1 =	sshll.u32 s0, $0x4  }
0x3: {  	s6 =	rddreg [dreg:$0x0];
	s0 =	stileid.u32;
	s1 =	sand.u32 $0x10, s1  }
0x4: {  	s3 =	rddreg [dreg:$0x1];
	s1 =	sor.u32 s0, s1  }
0x5: {  	s7 =	simm.s32 $0x1;
	s8 =	simm.s32 $0x2;
	s2 =	sshll.u32 s1, $0x7  }
0x6: {  	s10 =	simm.s32 $0x0;
	s9 =	simm.s32 $0x0;
	s5 =	ssub.s32 $0x400000, s2  }
.Ltmp0:
0x7: {  	s6 =	sadd.s32 $0x281000, s6;
	s4 =	sand.u32 $0xF80, s5;
	(pc) =	sbr.rel .LBB1_1-.Ltmp0, $4  }
0x8: {  	s1 =	rddreg [dreg:$0x2];
	_ =	strace $0x8000004A;
	p0 =	sne.s32 s4, $0x0  }
0x9: {  	s5 =	sshrl.u32 s5, $0xC;
	s4 =	simm.s32 $0x1;
	s7 =	simm.s32 @!p0 $0x0  }
0xa: {  	[sflag:s4] =	ssyncpa.u1 $0x0;
	p0 =	por $0x0, $0x0;
	s5 =	sadd.s32 s7, s5  }
0xb: {  	[sflag:s8] =	ssyncpa.u1 $0x0;
	s8 =	smov.u32 s2;
	s7 =	sadd.s32 $0x1, s5  }
.LBB1_4:
0xc: {  	[tilespmem:s20+$0xFFFFFFFA ss:$0x81] =	vst.msk $0xff, v4  }
0xd: {  	v4 =	vld.msk [tilespmem:s21+$0xFFFFFFF0], $0xff;
	_ =	sdelay $0x3  }
0xe: {  	[tilespmem:s18+$0xFFFFFFFB ss:$0x81] =	vst.msk $0xff, v3  }
0xf: {  	v3 =	vld.msk [tilespmem:s19+$0xFFFFFFF8], $0xff;
	[tilespmem:s20+$0xFFFFFFFB ss:$0x81] =	vst.msk $0xff, v4  }
0x10: {  	v4 =	vld.msk [tilespmem:s21+$0xFFFFFFF8], $0xff;
	_ =	sdelay $0x3  }
0x11: {  	v5 =	vld.msk [tilespmem:s17+$0x0], $0xff;
	[tilespmem:s18+$0xFFFFFFFC ss:$0x81] =	vst.msk $0xff, v3  }
0x12: {  	v3 =	vld.msk [tilespmem:s19+$0x0], $0xff;
	[tilespmem:s20+$0xFFFFFFFC ss:$0x81] =	vst.msk $0xff, v4  }
0x13: {  	v4 =	vld.msk [tilespmem:s21+$0x0], $0xff;
	_ =	sdelay $0x2  }
0x14: {  	[tilespmem:s16+$0xFFFFFFFD ss:$0x81] =	vst.msk $0xff, v5  }
0x15: {  	v5 =	vld.msk [tilespmem:s17+$0x8], $0xff;
	[tilespmem:s18+$0xFFFFFFFD ss:$0x81] =	vst.msk $0xff, v3  }
0x16: {  	v3 =	vld.msk [tilespmem:s19+$0x8], $0xff;
	[tilespmem:s20+$0xFFFFFFFD ss:$0x81] =	vst.msk $0xff, v4  }
0x17: {  	v4 =	vld.msk [tilespmem:s21+$0x8], $0xff;
	_ =	sdelay $0x1  }
0x18: {  	[tilespmem:s14+$0xFFFFFFFE ss:$0x81] =	vst.msk $0xff, v2  }
0x19: {  	v2 =	vld.msk [tilespmem:s15+$0x10], $0xff;
	[tilespmem:s16+$0xFFFFFFFE ss:$0x81] =	vst.msk $0xff, v5  }
0x1a: {  	v5 =	vld.msk [tilespmem:s17+$0x10], $0xff;
	[tilespmem:s18+$0xFFFFFFFE ss:$0x81] =	vst.msk $0xff, v3  }
0x1b: {  	v3 =	vld.msk [tilespmem:s19+$0x10], $0xff;
	[tilespmem:s20+$0xFFFFFFFE ss:$0x81] =	vst.msk $0xff, v4  }
0x1c: {  	v4 =	vld.msk [tilespmem:s21+$0x10], $0xff  }
0x1d: {  	[tilespmem:s12+$0xFFFFFFFF ss:$0x81] =	vst.msk $0xff, v1  }
0x1e: {  	v1 =	vld.msk [tilespmem:s13+$0x18], $0xff;
	[tilespmem:s14+$0xFFFFFFFF ss:$0x81] =	vst.msk $0xff, v2  }
0x1f: {  	v2 =	vld.msk [tilespmem:s15+$0x18], $0xff;
	[tilespmem:s16+$0xFFFFFFFF ss:$0x81] =	vst.msk $0xff, v5  }
0x20: {  	v61 =	vld.msk [tilespmem:s17+$0x18], $0xff;
	[tilespmem:s18+$0xFFFFFFFF ss:$0x81] =	vst.msk $0xff, v3  }
0x21: {  	v62 =	vld.msk [tilespmem:s19+$0x18], $0xff;
	[tilespmem:s20+$0xFFFFFFFF ss:$0x81] =	vst.msk $0xff, v4  }
0x22: {  	[tilespmem:s11+$0x0 ss:$0x81] =	vst.msk $0xff, v0;
	v63 =	vld.msk [tilespmem:s21+$0x18], $0xff  }
0x23: {  	s28 =	sshll.u32 s10, $0x3;
	[tilespmem:s12+$0x0 ss:$0x81] =	vst.msk $0xff, v1  }
0x24: {  	s29 =	sand.u32 $0x78, s10;
	s11 =	sand.u32 $0x3FFC00, s28;
	[tilespmem:s14+$0x0 ss:$0x81] =	vst.msk $0xff, v2  }
0x25: {  	s30 =	sand.u32 $0x380000, s10;
	s11 =	sor.u32 s29, s11;
	[tilespmem:s16+$0x0 ss:$0x81] =	vst.msk $0xff, v61  }
0x26: {  	s11 =	sshrl.u32 s11, $0x3;
	s12 =	sadd.s32 s3, s30;
	[tilespmem:s18+$0x0 ss:$0x81] =	vst.msk $0xff, v62  }
0x27: {  	s31 =	sand.u32 $0x7, s10;
	s11 =	sadd.s32 s11, s12;
	[tilespmem:s20+$0x0 ss:$0x81] =	vst.msk $0xff, v63  }
0x28: {  	[hbm4b:s11+s31] =	stream.linear.scatter [tilespmem:s22], [sflag:$0x2], $0x400, $0x20;
	[tilespmem:$0x1010] =	vst v63  }
.LBB1_5:
0x29: {  	s12 =	sadd.s32 $0x1000, s8  }
0x2a: {  	p2 =	sgt.s32 s12, $0x3FFFFF  }
0x2b: {  	s12 =	smov.u32 @p2 s2;
	p2 =	sne.s32 s9, s7  }
.Ltmp1:
0x2c: {  	p1 =	slt.u32 s9, $0x2;
	(pc) =	sbr.rel @!p2 .LBB1_6-.Ltmp1, $4  }
0x2d: {  	s11 =	simm.s32 @!p1 $0x2  }
0x2e: {  	s13 =	sadd.s32 $0x1, s9;
	_ =	swait.ge @!p1 [sflag:s11], $0x400  }
0x2f: {  	s10 =	smov.u32 s8;
	p0 =	por !p0, !p0;
	[sflag:s11] =	ssyncset.done @!p1 $0x0  }
0x30: {  	s9 =	smov.u32 s13;
	s8 =	smov.u32 s12;
	[sflag:s11] =	ssyncadd.s32 @!p1 $0xFFFFFC00  }
.LBB1_1:
0x31: {  	p1 =	sge.u32 s9, s5  }
0x32: {  	s31 =	sadd.s32 $0xFFFFFFFF, s9;
	s11 =	sxor.u32 @!p1 $0xFFFFFFFF, s9;
	s12 =	sshll.u32 @!p1 s8, $0x4  }
0x33: {  	s13 =	simm.s32 @!p1 $0x8;
	s11 =	sshll.u32 @!p1 s11, $0xA;
	s12 =	sand.u32 @!p1 $0x3FFFFF0, s12  }
0x34: {  	s14 =	simm.s32 @!p1 $0x80;
	s11 =	sand.u32 @!p1 $0x400, s11;
	s12 =	sadd.s32 @!p1 s6, s12  }
0x35: {  	[tilespmem:s11], [sflag:$0x1] =	stream.strided.gather @!p1 [hbm4b:s12+s13], $0x400, s14, s13, $0x38;
	[tilespmem:$0x1010] =	vst v63  }
0x36: {  	p1 =	sge.u32 s31, s5  }
.Ltmp2:
0x37: {  	_ = 	snop;
	(pc) =	sbr.rel @p1 .LBB1_5-.Ltmp2, $1  }
0x38: {  	_ =	sdelay $0x3  }
0x39: {  	s11 =	simm.s32 $0x1  }
0x3a: {  	_ =	swait.ge [sflag:s4], $0x400;
	s11 =	simm.s32 @!p0 $0x0  }
0x3b: {  	[sflag:s4] =	ssyncset.done $0x0;
	s12 =	sshll.u32 s11, $0xA  }
0x3c: {  	[sflag:s4] =	ssyncadd.s32 $0xFFFFFC00;
	s20 =	sor.u32 $0x20, s12  }
0x3d: {  	v0 =	vld.msk [tilespmem:s20+$0xFFFFFFE0], $0xff  }
0x3e: {  	s11 =	smul.u32 $0x1020, s11;
	_ =	sdelay $0x1  }
0x3f: {  	s11 =	sshrl.u32 s11, $0x2  }
0x40: {  	s11 =	sor.u32 $0x807, s11  }
0x41: {  	[tilespmem:s11+$0xFFFFFFF9 ss:$0x81] =	vst.msk $0xff, v0  }
0x42: {  	v0 =	vld.msk [tilespmem:s20+$0xFFFFFFE8], $0xff  }
0x43: {  	s13 =	sadd.s32 $0x40, s20  }
0x44: {  	v1 =	vld.msk [tilespmem:s13+$0xFFFFFFE0], $0xff;
	_ =	sdelay $0x2  }
0x45: {  	[tilespmem:s11+$0xFFFFFFFA ss:$0x81] =	vst.msk $0xff, v0  }
0x46: {  	s12 =	sadd.s32 $0x8, s11;
	v0 =	vld.msk [tilespmem:s20+$0xFFFFFFF0], $0xff  }
0x47: {  	[tilespmem:s12+$0xFFFFFFF9 ss:$0x81] =	vst.msk $0xff, v1  }
0x48: {  	v1 =	vld.msk [tilespmem:s13+$0xFFFFFFE8], $0xff  }
0x49: {  	s15 =	sadd.s32 $0x40, s13  }
0x4a: {  	v2 =	vld.msk [tilespmem:s15+$0xFFFFFFE0], $0xff  }
0x4b: {  	[tilespmem:s11+$0xFFFFFFFB ss:$0x81] =	vst.msk $0xff, v0  }
0x4c: {  	v0 =	vld.msk [tilespmem:s20+$0xFFFFFFF8], $0xff  }
0x4d: {  	[tilespmem:s12+$0xFFFFFFFA ss:$0x81] =	vst.msk $0xff, v1  }
0x4e: {  	s14 =	sadd.s32 $0x8, s12;
	v1 =	vld.msk [tilespmem:s13+$0xFFFFFFF0], $0xff  }
0x4f: {  	[tilespmem:s14+$0xFFFFFFF9 ss:$0x81] =	vst.msk $0xff, v2  }
0x50: {  	s17 =	sadd.s32 $0x40, s15;
	v2 =	vld.msk [tilespmem:s15+$0xFFFFFFE8], $0xff  }
0x51: {  	[tilespmem:s11+$0xFFFFFFFC ss:$0x81] =	vst.msk $0xff, v0;
	v0 =	vld.msk [tilespmem:s17+$0xFFFFFFE0], $0xff  }
0x52: {  	v3 =	vld.msk [tilespmem:s20+$0x0], $0xff  }
0x53: {  	[tilespmem:s12+$0xFFFFFFFB ss:$0x81] =	vst.msk $0xff, v1  }
0x54: {  	v1 =	vld.msk [tilespmem:s13+$0xFFFFFFF8], $0xff  }
0x55: {  	s16 =	sadd.s32 $0x8, s14;
	[tilespmem:s14+$0xFFFFFFFA ss:$0x81] =	vst.msk $0xff, v2  }
0x56: {  	v2 =	vld.msk [tilespmem:s15+$0xFFFFFFF0], $0xff;
	[tilespmem:s16+$0xFFFFFFF9 ss:$0x81] =	vst.msk $0xff, v0  }
0x57: {  	v0 =	vld.msk [tilespmem:s17+$0xFFFFFFE8], $0xff;
	[tilespmem:s11+$0xFFFFFFFD ss:$0x81] =	vst.msk $0xff, v3  }
0x58: {  	s19 =	sadd.s32 $0x40, s17;
	v3 =	vld.msk [tilespmem:s20+$0x8], $0xff  }
0x59: {  	[tilespmem:s12+$0xFFFFFFFC ss:$0x81] =	vst.msk $0xff, v1;
	v1 =	vld.msk [tilespmem:s19+$0xFFFFFFE0], $0xff  }
0x5a: {  	v4 =	vld.msk [tilespmem:s13+$0x0], $0xff  }
0x5b: {  	[tilespmem:s14+$0xFFFFFFFB ss:$0x81] =	vst.msk $0xff, v2  }
0x5c: {  	v2 =	vld.msk [tilespmem:s15+$0xFFFFFFF8], $0xff;
	[tilespmem:s16+$0xFFFFFFFA ss:$0x81] =	vst.msk $0xff, v0  }
0x5d: {  	s18 =	sadd.s32 $0x8, s16;
	v0 =	vld.msk [tilespmem:s17+$0xFFFFFFF0], $0xff;
	[tilespmem:s11+$0xFFFFFFFE ss:$0x81] =	vst.msk $0xff, v3  }
0x5e: {  	[tilespmem:s18+$0xFFFFFFF9 ss:$0x81] =	vst.msk $0xff, v1;
	v1 =	vld.msk [tilespmem:s20+$0x10], $0xff  }
0x5f: {  	[tilespmem:s12+$0xFFFFFFFD ss:$0x81] =	vst.msk $0xff, v4;
	v3 =	vld.msk [tilespmem:s19+$0xFFFFFFE8], $0xff  }
0x60: {  	s21 =	sadd.s32 $0x40, s19;
	v4 =	vld.msk [tilespmem:s13+$0x8], $0xff  }
0x61: {  	[tilespmem:s14+$0xFFFFFFFC ss:$0x81] =	vst.msk $0xff, v2;
	v2 =	vld.msk [tilespmem:s21+$0xFFFFFFE0], $0xff  }
0x62: {  	v5 =	vld.msk [tilespmem:s15+$0x0], $0xff;
	[tilespmem:s16+$0xFFFFFFFB ss:$0x81] =	vst.msk $0xff, v0  }
0x63: {  	v6 =	vld.msk [tilespmem:s17+$0xFFFFFFF8], $0xff;
	[tilespmem:s11+$0xFFFFFFFF ss:$0x81] =	vst.msk $0xff, v1  }
0x64: {  	s22 =	sand.u32 $0x1, s9;
	[tilespmem:s18+$0xFFFFFFFA ss:$0x81] =	vst.msk $0xff, v3;
	v0 =	vld.msk [tilespmem:s20+$0x18], $0xff  }
0x65: {  	s22 =	smul.u32 $0x1020, s22;
	[tilespmem:s12+$0xFFFFFFFE ss:$0x81] =	vst.msk $0xff, v4;
	v3 =	vld.msk [tilespmem:s19+$0xFFFFFFF0], $0xff;
	s20 =	sadd.s32 $0x8, s18  }
0x66: {  	v1 =	vld.msk [tilespmem:s13+$0x10], $0xff;
	[tilespmem:s20+$0xFFFFFFF9 ss:$0x81] =	vst.msk $0xff, v2  }
0x67: {  	s22 =	sshrl.u32 s22, $0x2;
	[tilespmem:s14+$0xFFFFFFFD ss:$0x81] =	vst.msk $0xff, v5;
	v4 =	vld.msk [tilespmem:s21+$0xFFFFFFE8], $0xff  }
0x68: {  	s23 =	simm.s32 $0x28;
	s22 =	sor.u32 $0x800, s22;
	s24 =	sadd.s32 $0x40, s21;
	v2 =	vld.msk [tilespmem:s15+$0x8], $0xff;
	[tilespmem:s16+$0xFFFFFFFC ss:$0x81] =	vst.msk $0xff, v6  }
.LBB1_3:
0x69: {  	v5 =	vld.msk [tilespmem:s24+$0xFFFFFFE0], $0xff;
	[tilespmem:s11+$0x0 ss:$0x81] =	vst.msk $0xff, v0;
	s11 =	smov.u32 s12;
	s12 =	smov.u32 s14;
	s14 =	smov.u32 s16  }
0x6a: {  	s23 =	sadd.s32 $0x8, s23;
	s16 =	smov.u32 s18;
	[tilespmem:s18+$0xFFFFFFFB ss:$0x81] =	vst.msk $0xff, v3;
	v6 =	vld.msk [tilespmem:s17+$0x0], $0xff;
	s18 =	smov.u32 s20  }
0x6b: {  	p1 =	slt.u32 s23, $0x78;
	v7 =	vld.msk [tilespmem:s19+$0xFFFFFFF8], $0xff;
	[tilespmem:s11+$0xFFFFFFFF ss:$0x81] =	vst.msk $0xff, v1  }
.Ltmp3:
0x6c: {  	[tilespmem:s20+$0xFFFFFFFA ss:$0x81] =	vst.msk $0xff, v4;
	v0 =	vld.msk [tilespmem:s13+$0x18], $0xff;
	s13 =	smov.u32 s15;
	s15 =	smov.u32 s17;
	(pc) =	sbr.rel @p1 .LBB1_3-.Ltmp3, $4  }
0x6d: {  	s20 =	sadd.s32 $0x8, s20;
	s17 =	smov.u32 s19;
	s19 =	smov.u32 s21;
	v3 =	vld.msk [tilespmem:s21+$0xFFFFFFF0], $0xff;
	[tilespmem:s12+$0xFFFFFFFE ss:$0x81] =	vst.msk $0xff, v2  }
0x6e: {  	s21 =	smov.u32 s24;
	[tilespmem:s20+$0xFFFFFFF9 ss:$0x81] =	vst.msk $0xff, v5;
	v1 =	vld.msk [tilespmem:s13+$0x10], $0xff  }
0x6f: {  	v4 =	vld.msk [tilespmem:s24+$0xFFFFFFE8], $0xff;
	[tilespmem:s14+$0xFFFFFFFD ss:$0x81] =	vst.msk $0xff, v6  }
0x70: {  	s24 =	sadd.s32 $0x40, s24;
	[tilespmem:s16+$0xFFFFFFFC ss:$0x81] =	vst.msk $0xff, v7;
	v2 =	vld.msk [tilespmem:s15+$0x8], $0xff  }
.Ltmp4:
0x71: {  	_ = 	snop;
	(pc) =	sbr.rel .LBB1_4-.Ltmp4, $1  }
0x72: {  	_ =	sdelay $0x3  }
.LBB1_6:
0x73: {  	_ =	sfence.sel $0x180000  }
0x74: {  	s2 =	simm.s32 $0x1;
	[bflag:$0x0] =	sbarrier.arrive $0xFFFF  }
0x75: {  	s31 =	simm.s32 $0x2;
	[sflag:s2] =	ssyncpa.u1 $0x1  }
0x76: {  	[sflag:s31] =	ssyncpa.u1 $0x1  }
0x77: {  	p0 =	sne.s32 s0, $0x0;
	_ =	strace $0x9000004A  }
0x78: {  	s0 =	sadd.s32 @!p0 $0x100000, s1;
	[bflag:$0x2] =	sbarrier.arrive $0xFFFF  }
0x79: {  	[sflag:s0] =	ssyncadd.tile.s32 @!p0 $0x1;
	_ =	shalt  }
.Lfunc_end1:
_tile_overlayer_lowered:
.L_overlay_start_2:
0x7a: {  	(tag) =	ssettag $0x2  }
0x7b: {  	s0 =	rddreg [dreg:$0x0];
	s2 =	stileid.u32  }
0x7c: {  	s1 =	rddreg [dreg:$0x1];
	p0 =	sne.s32 s2, $0x0  }
0x7d: {  	s3 =	rddreg [dreg:$0x2];
	[bflag:$0x3] =	sbarrier.arrive $0xFFFF;
	s2 =	simm.s32 @!p0 $0x1C01  }
0x7e: {  	[timem:s3], [sflag:s2] =	dma.local @!p0 [hbm:s0], s1  }
0x7f: {  	s0 =	simm.s32 @!p0 $0x1  }
0x80: {  	_ =	swait.ge @!p0 [sflag:s0], s1  }
0x81: {  	s1 =	ssub.s32 @!p0 $0x0, s1;
	[sflag:s0] =	ssyncset.done @!p0 $0x0  }
0x82: {  	[sflag:s0] =	ssyncadd.s32 @!p0 s1  }
0x83: {  	[bflag:$0x3] =	sbarrier.arrive $0xFFFF  }
0x84: {  	_ =	shalt  }

</sc_bundles>
